<compile_context>
chip_gen: v7x
topology: tpu7x:2x2x1
jax: 0.10.2.dev20260603
libtpu: 0.0.44.dev20260713+nightly
codegen_flags: <defaults>
</compile_context>

<pallas_src>
import functools

import jax
import jax.numpy as jnp
from jax import lax
from jax.experimental import pallas as pl
from jax.experimental.pallas import tpu as pltpu
from jax.experimental.pallas import tpu_sc as plsc

V = 1000
VP = 1024
N = 1024 * 50
NC, NS, L = 2, 16, 16
NW = NC * NS
BPW = N // NW
CHUNK = 32
NCHUNK = BPW // CHUNK


def _lz_body(t_ref, o_ref):
    t = t_ref[...]
    m = jnp.max(t, axis=1, keepdims=True)
    s = jnp.sum(jnp.exp(t - m), axis=1, keepdims=True)
    o_ref[...] = jnp.log(s) + m


def _fin_body(p_ref, o_ref):
    o_ref[...] = jnp.sum(p_ref[...], axis=(0, 1), keepdims=True) * (1.0 / N)


def _sc_body(table_h, toks_h, tgts_h, lz_h, out_h, part_h,
             idx_v, tgt_v, lz_v, rows0_v, rows1_v, acc_v,
             gsem0, gsem1, ssem0, ssem1):
    c = lax.axis_index("c")
    s = lax.axis_index("s")
    wid = s * NC + c
    pltpu.sync_copy(toks_h.at[wid], idx_v)
    pltpu.sync_copy(tgts_h.at[wid], tgt_v)
    pltpu.sync_copy(lz_h, lz_v)
    acc_v[...] = jnp.zeros((L,), jnp.float32)
    base = wid * BPW

    rows = (rows0_v, rows1_v)
    gsem = (gsem0, gsem1)
    ssem = (ssem0, ssem1)

    def gather_start(g, b):
        pltpu.async_copy(table_h.at[idx_v.at[pl.ds(g * CHUNK, CHUNK)]],
                         rows[b], gsem[b])

    def gather_wait(b):
        pltpu.make_async_copy(table_h.at[pl.ds(0, CHUNK)], rows[b],
                              gsem[b]).wait()

    def scatter_start(g, b):
        pltpu.async_copy(rows[b], out_h.at[pl.ds(base + g * CHUNK, CHUNK)],
                         ssem[b])

    def scatter_wait(b):
        pltpu.make_async_copy(rows[b], out_h.at[pl.ds(0, CHUNK)],
                              ssem[b]).wait()

    def loss_partial(g, b):
        for k in range(CHUNK // L):
            rowid = lax.iota(jnp.int32, L) + (k * L)
            tg = tgt_v[pl.ds(g * CHUNK + k * L, L)]
            tk = idx_v[pl.ds(g * CHUNK + k * L, L)]
            val = plsc.load_gather(rows[b], [rowid, tg])
            lzv = plsc.load_gather(lz_v, [tk])
            acc_v[...] = acc_v[...] + (lzv - val)

    gather_start(0, 0)
    gather_wait(0)
    scatter_start(0, 0)
    gather_start(1, 1)
    loss_partial(0, 0)

    def steady(t, carry):
        for j in range(2):
            g = 2 * t + 1 + j
            b = 1 - j
            gather_wait(b)
            scatter_start(g, b)
            scatter_wait(1 - b)
            gather_start(g + 1, 1 - b)
            loss_partial(g, b)
        return carry

    lax.fori_loop(0, (NCHUNK - 2) // 2, steady, 0)

    g = NCHUNK - 1
    gather_wait(1)
    scatter_start(g, 1)
    scatter_wait(0)
    loss_partial(g, 1)
    scatter_wait(1)
    pltpu.sync_copy(acc_v, part_h.at[wid])


def kernel(tokens, target, embedding_weight):
    table = embedding_weight.astype(jnp.float32)
    toks_f = tokens.reshape(-1).astype(jnp.int32)
    tgts_f = target.reshape(-1).astype(jnp.int32)

    lz2 = pl.pallas_call(
        _lz_body,
        out_shape=jax.ShapeDtypeStruct((V, 1), jnp.float32),
    )(table)
    lz = lz2.reshape(V)

    mesh = plsc.VectorSubcoreMesh(core_axis_name="c", subcore_axis_name="s")
    sc = functools.partial(
        pl.kernel,
        mesh=mesh,
        compiler_params=pltpu.CompilerParams(
            use_tc_tiling_on_sc=True, needs_layout_passes=False),
        out_type=[
            jax.ShapeDtypeStruct((N, VP), jnp.float32),
            jax.ShapeDtypeStruct((NW, L), jnp.float32),
        ],
        scratch_types=[
            pltpu.VMEM((BPW,), jnp.int32),
            pltpu.VMEM((BPW,), jnp.int32),
            pltpu.VMEM((V,), jnp.float32),
            pltpu.VMEM((CHUNK, VP), jnp.float32),
            pltpu.VMEM((CHUNK, VP), jnp.float32),
            pltpu.VMEM((L,), jnp.float32),
            pltpu.SemaphoreType.DMA,
            pltpu.SemaphoreType.DMA,
            pltpu.SemaphoreType.DMA,
            pltpu.SemaphoreType.DMA,
        ],
    )(_sc_body)
    table_p = jnp.pad(table, ((0, 0), (0, VP - V)))
    logits_p, parts = sc(table_p, toks_f.reshape(NW, BPW),
                         tgts_f.reshape(NW, BPW), lz)
    logits = logits_p[:, :V]

    loss2 = pl.pallas_call(
        _fin_body,
        out_shape=jax.ShapeDtypeStruct((1, 1), jnp.float32),
    )(parts)
    loss = loss2[0, 0]
    return (logits, loss)

# --- scband reference (transcript-rebuilt; emitter-appended) ---
"""Pipeline reference for scband-bigram-53721450938929 (READ-ONLY COPY).

The authoritative reference and input builder live on the scoring server;
editing this copy changes nothing except your own understanding.
"""

import jax, jax.numpy as jnp
import numpy as np

VOCAB = 1000
BATCH = 1024
BLOCK = 50

def setup_inputs(seed: int = 0) -> dict:
    key = jax.random.key(seed)
    k1, k2, k3 = jax.random.split(key, 3)
    tokens = jax.random.randint(k1, (BATCH, BLOCK), 0, VOCAB, dtype=jnp.int64 if jax.config.jax_enable_x64 else jnp.int32)
    target = jax.random.randint(k2, (BATCH, BLOCK), 0, VOCAB, dtype=jnp.int64 if jax.config.jax_enable_x64 else jnp.int32)
    embedding_weight = jax.random.normal(k3, (VOCAB, VOCAB), dtype=jnp.float32)
    return {"tokens": tokens, "target": target, "embedding_weight": embedding_weight}

def _cross_entropy(logits, target):
    logz = jax.scipy.special.logsumexp(logits, axis=1)
    ll = jnp.take_along_axis(logits, target[:, None], axis=1)[:, 0]
    return jnp.mean(logz - ll)

def reference(tokens, target, embedding_weight):
    # logits = self.embedding(tokens)
    logits = jnp.take(embedding_weight, tokens, axis=0)  # [B, T, V]
    b, blk, v = logits.shape
    logits = logits.reshape(b * blk, v)
    tgt = target.reshape(-1)
    loss = _cross_entropy(logits, tgt)
    return (logits, loss)

if __name__ == "__main__":
    import jax
    _d = setup_inputs()
    print(jax.jit(kernel)(*tuple(_d.values())))

</pallas_src>

<mosaic_0001>
#map = affine_map<(d0, d1) -> (0, 0)>
#map1 = affine_map<(d0, d1) -> (0)>
module attributes {stable_mosaic.version = 14 : i64} {
  func.func @_sc_body(%arg0: i32, %arg1: i32, %arg2: memref<1000x1024xf32, #tpu.memory_space<hbm>>, %arg3: memref<32x1600xi32, #tpu.memory_space<hbm>>, %arg4: memref<32x1600xi32, #tpu.memory_space<hbm>>, %arg5: memref<1000xf32, #tpu.memory_space<hbm>>, %arg6: memref<51200x1024xf32, #tpu.memory_space<hbm>>, %arg7: memref<32x16xf32, #tpu.memory_space<hbm>>, %arg8: memref<1600xi32, #tpu.memory_space<vmem>>, %arg9: memref<1600xi32, #tpu.memory_space<vmem>>, %arg10: memref<1000xf32, #tpu.memory_space<vmem>>, %arg11: memref<32x1024xf32, #tpu.memory_space<vmem>>, %arg12: memref<32x1024xf32, #tpu.memory_space<vmem>>, %arg13: memref<16xf32, #tpu.memory_space<vmem>>, %arg14: memref<!tpu.dma_semaphore, #tpu.memory_space<semaphore_mem>>, %arg15: memref<!tpu.dma_semaphore, #tpu.memory_space<semaphore_mem>>, %arg16: memref<!tpu.dma_semaphore, #tpu.memory_space<semaphore_mem>>, %arg17: memref<!tpu.dma_semaphore, #tpu.memory_space<semaphore_mem>>) attributes {dimension_semantics = [#tpu.dimension_semantics<core_parallel>, #tpu.dimension_semantics<subcore_parallel>], iteration_bounds = array<i64: 2, 16>, scalar_prefetch = 0 : i64, scratch_operands = 10 : i64, tpu.core_type = #tpu.core_type<sc_vector_subcore>, window_params = [{transform_indices = #map}, {transform_indices = #map}, {transform_indices = #map}, {transform_indices = #map1}, {transform_indices = #map}, {transform_indices = #map}]} {
    %mul3A = arith.constant 2 : i32
    %mul3A_0 = arith.muli %arg1, %mul3A : i32
    %add3A = arith.addi %mul3A_0, %arg0 : i32
    "tpu.region"() ({
      %run_scoped3A = tpu.sem_alloc : memref<!tpu.dma_semaphore, #tpu.memory_space<semaphore_mem>>
      %dma_start3A_114 = arith.constant 0 : i32
      %dma_start3A_115 = tpu.memref_slice %arg3[%add3A, %dma_start3A_114] : memref<32x1600xi32, #tpu.memory_space<hbm>> -> memref<1x1600xi32, #tpu.memory_space<hbm>>
      %dma_start3A_116 = tpu.memref_squeeze %dma_start3A_115 : memref<1x1600xi32, #tpu.memory_space<hbm>> -> memref<1600xi32, #tpu.memory_space<hbm>>
      %dma_start3A_117 = arith.constant 0 : i32
      %dma_start3A_118 = tpu.memref_slice %arg3[%add3A, %dma_start3A_117] : memref<32x1600xi32, #tpu.memory_space<hbm>> -> memref<1x1600xi32, #tpu.memory_space<hbm>>
      %dma_start3A_119 = tpu.memref_squeeze %dma_start3A_118 : memref<1x1600xi32, #tpu.memory_space<hbm>> -> memref<1600xi32, #tpu.memory_space<hbm>>
      tpu.enqueue_dma source(%dma_start3A_119 : memref<1600xi32, #tpu.memory_space<hbm>>) target(%arg8 : memref<1600xi32, #tpu.memory_space<vmem>>) target_semaphore(%run_scoped3A : memref<!tpu.dma_semaphore, #tpu.memory_space<semaphore_mem>>)
      %dma_wait3A_120 = arith.constant 0 : i32
      %dma_wait3A_121 = tpu.memref_slice %arg3[%add3A, %dma_wait3A_120] : memref<32x1600xi32, #tpu.memory_space<hbm>> -> memref<1x1600xi32, #tpu.memory_space<hbm>>
      %dma_wait3A_122 = tpu.memref_squeeze %dma_wait3A_121 : memref<1x1600xi32, #tpu.memory_space<hbm>> -> memref<1600xi32, #tpu.memory_space<hbm>>
      %dma_wait3A_123 = arith.constant 0 : i32
      %dma_wait3A_124 = tpu.memref_slice %arg3[%add3A, %dma_wait3A_123] : memref<32x1600xi32, #tpu.memory_space<hbm>> -> memref<1x1600xi32, #tpu.memory_space<hbm>>
      %dma_wait3A_125 = tpu.memref_squeeze %dma_wait3A_124 : memref<1x1600xi32, #tpu.memory_space<hbm>> -> memref<1600xi32, #tpu.memory_space<hbm>>
      tpu.wait_dma2 semaphore(%run_scoped3A : memref<!tpu.dma_semaphore, #tpu.memory_space<semaphore_mem>>) src(%dma_wait3A_125 : memref<1600xi32, #tpu.memory_space<hbm>>) dst(%arg8 : memref<1600xi32, #tpu.memory_space<vmem>>)
      tpu.yield
    }) : () -> ()
    "tpu.region"() ({
      %run_scoped3A = tpu.sem_alloc : memref<!tpu.dma_semaphore, #tpu.memory_space<semaphore_mem>>
      %dma_start3A_114 = arith.constant 0 : i32
      %dma_start3A_115 = tpu.memref_slice %arg4[%add3A, %dma_start3A_114] : memref<32x1600xi32, #tpu.memory_space<hbm>> -> memref<1x1600xi32, #tpu.memory_space<hbm>>
      %dma_start3A_116 = tpu.memref_squeeze %dma_start3A_115 : memref<1x1600xi32, #tpu.memory_space<hbm>> -> memref<1600xi32, #tpu.memory_space<hbm>>
      %dma_start3A_117 = arith.constant 0 : i32
      %dma_start3A_118 = tpu.memref_slice %arg4[%add3A, %dma_start3A_117] : memref<32x1600xi32, #tpu.memory_space<hbm>> -> memref<1x1600xi32, #tpu.memory_space<hbm>>
      %dma_start3A_119 = tpu.memref_squeeze %dma_start3A_118 : memref<1x1600xi32, #tpu.memory_space<hbm>> -> memref<1600xi32, #tpu.memory_space<hbm>>
      tpu.enqueue_dma source(%dma_start3A_119 : memref<1600xi32, #tpu.memory_space<hbm>>) target(%arg9 : memref<1600xi32, #tpu.memory_space<vmem>>) target_semaphore(%run_scoped3A : memref<!tpu.dma_semaphore, #tpu.memory_space<semaphore_mem>>)
      %dma_wait3A_120 = arith.constant 0 : i32
      %dma_wait3A_121 = tpu.memref_slice %arg4[%add3A, %dma_wait3A_120] : memref<32x1600xi32, #tpu.memory_space<hbm>> -> memref<1x1600xi32, #tpu.memory_space<hbm>>
      %dma_wait3A_122 = tpu.memref_squeeze %dma_wait3A_121 : memref<1x1600xi32, #tpu.memory_space<hbm>> -> memref<1600xi32, #tpu.memory_space<hbm>>
      %dma_wait3A_123 = arith.constant 0 : i32
      %dma_wait3A_124 = tpu.memref_slice %arg4[%add3A, %dma_wait3A_123] : memref<32x1600xi32, #tpu.memory_space<hbm>> -> memref<1x1600xi32, #tpu.memory_space<hbm>>
      %dma_wait3A_125 = tpu.memref_squeeze %dma_wait3A_124 : memref<1x1600xi32, #tpu.memory_space<hbm>> -> memref<1600xi32, #tpu.memory_space<hbm>>
      tpu.wait_dma2 semaphore(%run_scoped3A : memref<!tpu.dma_semaphore, #tpu.memory_space<semaphore_mem>>) src(%dma_wait3A_125 : memref<1600xi32, #tpu.memory_space<hbm>>) dst(%arg9 : memref<1600xi32, #tpu.memory_space<vmem>>)
      tpu.yield
    }) : () -> ()
    "tpu.region"() ({
      %run_scoped3A = tpu.sem_alloc : memref<!tpu.dma_semaphore, #tpu.memory_space<semaphore_mem>>
      tpu.enqueue_dma source(%arg5 : memref<1000xf32, #tpu.memory_space<hbm>>) target(%arg10 : memref<1000xf32, #tpu.memory_space<vmem>>) target_semaphore(%run_scoped3A : memref<!tpu.dma_semaphore, #tpu.memory_space<semaphore_mem>>)
      tpu.wait_dma2 semaphore(%run_scoped3A : memref<!tpu.dma_semaphore, #tpu.memory_space<semaphore_mem>>) src(%arg5 : memref<1000xf32, #tpu.memory_space<hbm>>) dst(%arg10 : memref<1000xf32, #tpu.memory_space<vmem>>)
      tpu.yield
    }) : () -> ()
    %broadcast_in_dim3A = arith.constant 0.000000e+00 : f32
    %broadcast_in_dim3A_1 = vector.broadcast %broadcast_in_dim3A : f32 to vector<16xf32>
    %swap3A = arith.constant 0 : index
    %swap3A_2 = tpu.vector_load %arg13[%swap3A] {strides = array<i32>} : memref<16xf32, #tpu.memory_space<vmem>>, vector<16xf32>,
    tpu.vector_store %arg13[%swap3A], %broadcast_in_dim3A_1 {strides = array<i32>} : memref<16xf32, #tpu.memory_space<vmem>>, vector<16xf32>,
    %mul3A_3 = arith.constant 1600 : i32
    %mul3A_4 = arith.muli %add3A, %mul3A_3 : i32
    %dma_start3A = arith.constant 0 : i32
    %dma_start3A_5 = tpu.memref_slice %arg8[%dma_start3A] : memref<1600xi32, #tpu.memory_space<vmem>> -> memref<32xi32, #tpu.memory_space<vmem>>
    %dma_start3A_6 = arith.constant 0 : i32
    %dma_start3A_7 = arith.constant 0 : i32
    %dma_start3A_8 = tpu.memref_slice %arg2[%dma_start3A_6, %dma_start3A_7] : memref<1000x1024xf32, #tpu.memory_space<hbm>> -> memref<1000x1024xf32, #tpu.memory_space<hbm>>
    tpu.enqueue_indirect_dma source(%dma_start3A_8 : memref<1000x1024xf32, #tpu.memory_space<hbm>>) target(%arg11 : memref<32x1024xf32, #tpu.memory_space<vmem>>) offsets(%dma_start3A_5 : memref<32xi32, #tpu.memory_space<vmem>>) semaphore(%arg14 : memref<!tpu.dma_semaphore, #tpu.memory_space<semaphore_mem>>)
    %dma_wait3A = arith.constant 0 : i32
    %dma_wait3A_9 = arith.constant 0 : i32
    %dma_wait3A_10 = tpu.memref_slice %arg2[%dma_wait3A, %dma_wait3A_9] : memref<1000x1024xf32, #tpu.memory_space<hbm>> -> memref<32x1024xf32, #tpu.memory_space<hbm>>
    %dma_wait3A_11 = arith.constant 0 : i32
    %dma_wait3A_12 = arith.constant 0 : i32
    %dma_wait3A_13 = tpu.memref_slice %arg2[%dma_wait3A_11, %dma_wait3A_12] : memref<1000x1024xf32, #tpu.memory_space<hbm>> -> memref<32x1024xf32, #tpu.memory_space<hbm>>
    tpu.wait_dma2 semaphore(%arg14 : memref<!tpu.dma_semaphore, #tpu.memory_space<semaphore_mem>>) src(%dma_wait3A_13 : memref<32x1024xf32, #tpu.memory_space<hbm>>) dst(%arg11 : memref<32x1024xf32, #tpu.memory_space<vmem>>)
    %add3A_14 = arith.constant 0 : i32
    %add3A_15 = arith.addi %mul3A_4, %add3A_14 : i32
    %dma_start3A_16 = arith.constant 0 : i32
    %dma_start3A_17 = tpu.memref_slice %arg6[%add3A_15, %dma_start3A_16] : memref<51200x1024xf32, #tpu.memory_space<hbm>> -> memref<32x1024xf32, #tpu.memory_space<hbm>>
    %dma_start3A_18 = arith.constant 0 : i32
    %dma_start3A_19 = tpu.memref_slice %arg6[%add3A_15, %dma_start3A_18] : memref<51200x1024xf32, #tpu.memory_space<hbm>> -> memref<32x1024xf32, #tpu.memory_space<hbm>>
    tpu.enqueue_dma source(%arg11 : memref<32x1024xf32, #tpu.memory_space<vmem>>) target(%dma_start3A_19 : memref<32x1024xf32, #tpu.memory_space<hbm>>) target_semaphore(%arg16 : memref<!tpu.dma_semaphore, #tpu.memory_space<semaphore_mem>>)
    %dma_start3A_20 = arith.constant 32 : i32
    %dma_start3A_21 = tpu.memref_slice %arg8[%dma_start3A_20] : memref<1600xi32, #tpu.memory_space<vmem>> -> memref<32xi32, #tpu.memory_space<vmem>>
    %dma_start3A_22 = arith.constant 0 : i32
    %dma_start3A_23 = arith.constant 0 : i32
    %dma_start3A_24 = tpu.memref_slice %arg2[%dma_start3A_22, %dma_start3A_23] : memref<1000x1024xf32, #tpu.memory_space<hbm>> -> memref<1000x1024xf32, #tpu.memory_space<hbm>>
    tpu.enqueue_indirect_dma source(%dma_start3A_24 : memref<1000x1024xf32, #tpu.memory_space<hbm>>) target(%arg12 : memref<32x1024xf32, #tpu.memory_space<vmem>>) offsets(%dma_start3A_21 : memref<32xi32, #tpu.memory_space<vmem>>) semaphore(%arg15 : memref<!tpu.dma_semaphore, #tpu.memory_space<semaphore_mem>>)
    %iota3A = tpu.iota {dimensions = array<i32: 0>} : vector<16xi32>
    %add3A_25 = arith.constant 0 : i32
    %add3A_26 = vector.broadcast %add3A_25 : i32 to vector<16xi32>
    %add3A_27 = arith.addi %iota3A, %add3A_26 : vector<16xi32>
    %get3A = arith.constant 0 : index
    %get3A_28 = tpu.vector_load %arg9[%get3A] {strides = array<i32>} : memref<1600xi32, #tpu.memory_space<vmem>>, vector<16xi32>,
    %get3A_29 = arith.constant 0 : index
    %get3A_30 = tpu.vector_load %arg8[%get3A_29] {strides = array<i32>} : memref<1600xi32, #tpu.memory_space<vmem>>, vector<16xi32>,
    %gather3A = tpu.vector_load_idx %arg11[%add3A_27, %get3A_28] : memref<32x1024xf32, #tpu.memory_space<vmem>>[vector<16xi32>, vector<16xi32>], vector<16xf32>,
    %gather3A_31 = tpu.vector_load_idx %arg10[%get3A_30] : memref<1000xf32, #tpu.memory_space<vmem>>[vector<16xi32>], vector<16xf32>,
    %get3A_32 = arith.constant 0 : index
    %get3A_33 = tpu.vector_load %arg13[%get3A_32] {strides = array<i32>} : memref<16xf32, #tpu.memory_space<vmem>>, vector<16xf32>,
    %sub3A = arith.subf %gather3A_31, %gather3A : vector<16xf32>
    %add3A_34 = arith.addf %get3A_33, %sub3A : vector<16xf32>
    %swap3A_35 = arith.constant 0 : index
    %swap3A_36 = tpu.vector_load %arg13[%swap3A_35] {strides = array<i32>} : memref<16xf32, #tpu.memory_space<vmem>>, vector<16xf32>,
    tpu.vector_store %arg13[%swap3A_35], %add3A_34 {strides = array<i32>} : memref<16xf32, #tpu.memory_space<vmem>>, vector<16xf32>,
    %iota3A_37 = tpu.iota {dimensions = array<i32: 0>} : vector<16xi32>
    %add3A_38 = arith.constant 16 : i32
    %add3A_39 = vector.broadcast %add3A_38 : i32 to vector<16xi32>
    %add3A_40 = arith.addi %iota3A_37, %add3A_39 : vector<16xi32>
    %get3A_41 = arith.constant 16 : index
    %get3A_42 = tpu.vector_load %arg9[%get3A_41] {strides = array<i32>} : memref<1600xi32, #tpu.memory_space<vmem>>, vector<16xi32>,
    %get3A_43 = arith.constant 16 : index
    %get3A_44 = tpu.vector_load %arg8[%get3A_43] {strides = array<i32>} : memref<1600xi32, #tpu.memory_space<vmem>>, vector<16xi32>,
    %gather3A_45 = tpu.vector_load_idx %arg11[%add3A_40, %get3A_42] : memref<32x1024xf32, #tpu.memory_space<vmem>>[vector<16xi32>, vector<16xi32>], vector<16xf32>,
    %gather3A_46 = tpu.vector_load_idx %arg10[%get3A_44] : memref<1000xf32, #tpu.memory_space<vmem>>[vector<16xi32>], vector<16xf32>,
    %get3A_47 = arith.constant 0 : index
    %get3A_48 = tpu.vector_load %arg13[%get3A_47] {strides = array<i32>} : memref<16xf32, #tpu.memory_space<vmem>>, vector<16xf32>,
    %sub3A_49 = arith.subf %gather3A_46, %gather3A_45 : vector<16xf32>
    %add3A_50 = arith.addf %get3A_48, %sub3A_49 : vector<16xf32>
    %swap3A_51 = arith.constant 0 : index
    %swap3A_52 = tpu.vector_load %arg13[%swap3A_51] {strides = array<i32>} : memref<16xf32, #tpu.memory_space<vmem>>, vector<16xf32>,
    tpu.vector_store %arg13[%swap3A_51], %add3A_50 {strides = array<i32>} : memref<16xf32, #tpu.memory_space<vmem>>, vector<16xf32>,
    %scan3A = arith.constant 0 : i32
    %scan3A_53 = arith.constant 0 : i32
    %scan3A_54 = arith.constant 24 : i32
    %scan3A_55 = arith.addi %scan3A_53, %scan3A_54 : i32
    %scan3A_56 = arith.constant 1 : i32
    scf.for %scan3A_114 = %scan3A_53 to %scan3A_55 step %scan3A_56  : i32 {
      %mul3A_115 = arith.constant 2 : i32
      %mul3A_116 = arith.muli %mul3A_115, %scan3A_114 : i32
      %add3A_117 = arith.constant 1 : i32
      %add3A_118 = arith.addi %mul3A_116, %add3A_117 : i32
      %add3A_119 = arith.constant 0 : i32
      %add3A_120 = arith.addi %add3A_118, %add3A_119 : i32
      %dma_wait3A_121 = arith.constant 0 : i32
      %dma_wait3A_122 = arith.constant 0 : i32
      %dma_wait3A_123 = tpu.memref_slice %arg2[%dma_wait3A_121, %dma_wait3A_122] : memref<1000x1024xf32, #tpu.memory_space<hbm>> -> memref<32x1024xf32, #tpu.memory_space<hbm>>
      %dma_wait3A_124 = arith.constant 0 : i32
      %dma_wait3A_125 = arith.constant 0 : i32
      %dma_wait3A_126 = tpu.memref_slice %arg2[%dma_wait3A_124, %dma_wait3A_125] : memref<1000x1024xf32, #tpu.memory_space<hbm>> -> memref<32x1024xf32, #tpu.memory_space<hbm>>
      tpu.wait_dma2 semaphore(%arg15 : memref<!tpu.dma_semaphore, #tpu.memory_space<semaphore_mem>>) src(%dma_wait3A_126 : memref<32x1024xf32, #tpu.memory_space<hbm>>) dst(%arg12 : memref<32x1024xf32, #tpu.memory_space<vmem>>)
      %mul3A_127 = arith.constant 32 : i32
      %mul3A_128 = arith.muli %add3A_120, %mul3A_127 : i32
      %add3A_129 = arith.addi %mul3A_4, %mul3A_128 : i32
      %dma_start3A_130 = arith.constant 0 : i32
      %dma_start3A_131 = tpu.memref_slice %arg6[%add3A_129, %dma_start3A_130] : memref<51200x1024xf32, #tpu.memory_space<hbm>> -> memref<32x1024xf32, #tpu.memory_space<hbm>>
      %dma_start3A_132 = arith.constant 0 : i32
      %dma_start3A_133 = tpu.memref_slice %arg6[%add3A_129, %dma_start3A_132] : memref<51200x1024xf32, #tpu.memory_space<hbm>> -> memref<32x1024xf32, #tpu.memory_space<hbm>>
      tpu.enqueue_dma source(%arg12 : memref<32x1024xf32, #tpu.memory_space<vmem>>) target(%dma_start3A_133 : memref<32x1024xf32, #tpu.memory_space<hbm>>) target_semaphore(%arg17 : memref<!tpu.dma_semaphore, #tpu.memory_space<semaphore_mem>>)
      %dma_wait3A_134 = arith.constant 0 : i32
      %dma_wait3A_135 = arith.constant 0 : i32
      %dma_wait3A_136 = tpu.memref_slice %arg6[%dma_wait3A_134, %dma_wait3A_135] : memref<51200x1024xf32, #tpu.memory_space<hbm>> -> memref<32x1024xf32, #tpu.memory_space<hbm>>
      %dma_wait3A_137 = arith.constant 0 : i32
      %dma_wait3A_138 = arith.constant 0 : i32
      %dma_wait3A_139 = tpu.memref_slice %arg6[%dma_wait3A_137, %dma_wait3A_138] : memref<51200x1024xf32, #tpu.memory_space<hbm>> -> memref<32x1024xf32, #tpu.memory_space<hbm>>
      tpu.wait_dma2 semaphore(%arg16 : memref<!tpu.dma_semaphore, #tpu.memory_space<semaphore_mem>>) src(%arg11 : memref<32x1024xf32, #tpu.memory_space<vmem>>) dst(%dma_wait3A_139 : memref<32x1024xf32, #tpu.memory_space<hbm>>)
      %add3A_140 = arith.constant 1 : i32
      %add3A_141 = arith.addi %add3A_120, %add3A_140 : i32
      %mul3A_142 = arith.constant 32 : i32
      %mul3A_143 = arith.muli %add3A_141, %mul3A_142 : i32
      %dma_start3A_144 = tpu.memref_slice %arg8[%mul3A_143] : memref<1600xi32, #tpu.memory_space<vmem>> -> memref<32xi32, #tpu.memory_space<vmem>>
      %dma_start3A_145 = arith.constant 0 : i32
      %dma_start3A_146 = arith.constant 0 : i32
      %dma_start3A_147 = tpu.memref_slice %arg2[%dma_start3A_145, %dma_start3A_146] : memref<1000x1024xf32, #tpu.memory_space<hbm>> -> memref<1000x1024xf32, #tpu.memory_space<hbm>>
      tpu.enqueue_indirect_dma source(%dma_start3A_147 : memref<1000x1024xf32, #tpu.memory_space<hbm>>) target(%arg11 : memref<32x1024xf32, #tpu.memory_space<vmem>>) offsets(%dma_start3A_144 : memref<32xi32, #tpu.memory_space<vmem>>) semaphore(%arg14 : memref<!tpu.dma_semaphore, #tpu.memory_space<semaphore_mem>>)
      %iota3A_148 = tpu.iota {dimensions = array<i32: 0>} : vector<16xi32>
      %add3A_149 = arith.constant 0 : i32
      %add3A_150 = vector.broadcast %add3A_149 : i32 to vector<16xi32>
      %add3A_151 = arith.addi %iota3A_148, %add3A_150 : vector<16xi32>
      %mul3A_152 = arith.constant 32 : i32
      %mul3A_153 = arith.muli %add3A_120, %mul3A_152 : i32
      %add3A_154 = arith.constant 0 : i32
      %add3A_155 = arith.addi %mul3A_153, %add3A_154 : i32
      %get3A_156 = arith.index_cast %add3A_155 : i32 to index
      %get3A_157 = tpu.vector_load %arg9[%get3A_156] {strides = array<i32>} : memref<1600xi32, #tpu.memory_space<vmem>>, vector<16xi32>,
      %mul3A_158 = arith.constant 32 : i32
      %mul3A_159 = arith.muli %add3A_120, %mul3A_158 : i32
      %add3A_160 = arith.constant 0 : i32
      %add3A_161 = arith.addi %mul3A_159, %add3A_160 : i32
      %get3A_162 = arith.index_cast %add3A_161 : i32 to index
      %get3A_163 = tpu.vector_load %arg8[%get3A_162] {strides = array<i32>} : memref<1600xi32, #tpu.memory_space<vmem>>, vector<16xi32>,
      %gather3A_164 = tpu.vector_load_idx %arg12[%add3A_151, %get3A_157] : memref<32x1024xf32, #tpu.memory_space<vmem>>[vector<16xi32>, vector<16xi32>], vector<16xf32>,
      %gather3A_165 = tpu.vector_load_idx %arg10[%get3A_163] : memref<1000xf32, #tpu.memory_space<vmem>>[vector<16xi32>], vector<16xf32>,
      %get3A_166 = arith.constant 0 : index
      %get3A_167 = tpu.vector_load %arg13[%get3A_166] {strides = array<i32>} : memref<16xf32, #tpu.memory_space<vmem>>, vector<16xf32>,
      %sub3A_168 = arith.subf %gather3A_165, %gather3A_164 : vector<16xf32>
      %add3A_169 = arith.addf %get3A_167, %sub3A_168 : vector<16xf32>
      %swap3A_170 = arith.constant 0 : index
      %swap3A_171 = tpu.vector_load %arg13[%swap3A_170] {strides = array<i32>} : memref<16xf32, #tpu.memory_space<vmem>>, vector<16xf32>,
      tpu.vector_store %arg13[%swap3A_170], %add3A_169 {strides = array<i32>} : memref<16xf32, #tpu.memory_space<vmem>>, vector<16xf32>,
      %iota3A_172 = tpu.iota {dimensions = array<i32: 0>} : vector<16xi32>
      %add3A_173 = arith.constant 16 : i32
      %add3A_174 = vector.broadcast %add3A_173 : i32 to vector<16xi32>
      %add3A_175 = arith.addi %iota3A_172, %add3A_174 : vector<16xi32>
      %mul3A_176 = arith.constant 32 : i32
      %mul3A_177 = arith.muli %add3A_120, %mul3A_176 : i32
      %add3A_178 = arith.constant 16 : i32
      %add3A_179 = arith.addi %mul3A_177, %add3A_178 : i32
      %get3A_180 = arith.index_cast %add3A_179 : i32 to index
      %get3A_181 = tpu.vector_load %arg9[%get3A_180] {strides = array<i32>} : memref<1600xi32, #tpu.memory_space<vmem>>, vector<16xi32>,
      %mul3A_182 = arith.constant 32 : i32
      %mul3A_183 = arith.muli %add3A_120, %mul3A_182 : i32
      %add3A_184 = arith.constant 16 : i32
      %add3A_185 = arith.addi %mul3A_183, %add3A_184 : i32
      %get3A_186 = arith.index_cast %add3A_185 : i32 to index
      %get3A_187 = tpu.vector_load %arg8[%get3A_186] {strides = array<i32>} : memref<1600xi32, #tpu.memory_space<vmem>>, vector<16xi32>,
      %gather3A_188 = tpu.vector_load_idx %arg12[%add3A_175, %get3A_181] : memref<32x1024xf32, #tpu.memory_space<vmem>>[vector<16xi32>, vector<16xi32>], vector<16xf32>,
      %gather3A_189 = tpu.vector_load_idx %arg10[%get3A_187] : memref<1000xf32, #tpu.memory_space<vmem>>[vector<16xi32>], vector<16xf32>,
      %get3A_190 = arith.constant 0 : index
      %get3A_191 = tpu.vector_load %arg13[%get3A_190] {strides = array<i32>} : memref<16xf32, #tpu.memory_space<vmem>>, vector<16xf32>,
      %sub3A_192 = arith.subf %gather3A_189, %gather3A_188 : vector<16xf32>
      %add3A_193 = arith.addf %get3A_191, %sub3A_192 : vector<16xf32>
      %swap3A_194 = arith.constant 0 : index
      %swap3A_195 = tpu.vector_load %arg13[%swap3A_194] {strides = array<i32>} : memref<16xf32, #tpu.memory_space<vmem>>, vector<16xf32>,
      tpu.vector_store %arg13[%swap3A_194], %add3A_193 {strides = array<i32>} : memref<16xf32, #tpu.memory_space<vmem>>, vector<16xf32>,
      %mul3A_196 = arith.constant 2 : i32
      %mul3A_197 = arith.muli %mul3A_196, %scan3A_114 : i32
      %add3A_198 = arith.constant 1 : i32
      %add3A_199 = arith.addi %mul3A_197, %add3A_198 : i32
      %add3A_200 = arith.constant 1 : i32
      %add3A_201 = arith.addi %add3A_199, %add3A_200 : i32
      %dma_wait3A_202 = arith.constant 0 : i32
      %dma_wait3A_203 = arith.constant 0 : i32
      %dma_wait3A_204 = tpu.memref_slice %arg2[%dma_wait3A_202, %dma_wait3A_203] : memref<1000x1024xf32, #tpu.memory_space<hbm>> -> memref<32x1024xf32, #tpu.memory_space<hbm>>
      %dma_wait3A_205 = arith.constant 0 : i32
      %dma_wait3A_206 = arith.constant 0 : i32
      %dma_wait3A_207 = tpu.memref_slice %arg2[%dma_wait3A_205, %dma_wait3A_206] : memref<1000x1024xf32, #tpu.memory_space<hbm>> -> memref<32x1024xf32, #tpu.memory_space<hbm>>
      tpu.wait_dma2 semaphore(%arg14 : memref<!tpu.dma_semaphore, #tpu.memory_space<semaphore_mem>>) src(%dma_wait3A_207 : memref<32x1024xf32, #tpu.memory_space<hbm>>) dst(%arg11 : memref<32x1024xf32, #tpu.memory_space<vmem>>)
      %mul3A_208 = arith.constant 32 : i32
      %mul3A_209 = arith.muli %add3A_201, %mul3A_208 : i32
      %add3A_210 = arith.addi %mul3A_4, %mul3A_209 : i32
      %dma_start3A_211 = arith.constant 0 : i32
      %dma_start3A_212 = tpu.memref_slice %arg6[%add3A_210, %dma_start3A_211] : memref<51200x1024xf32, #tpu.memory_space<hbm>> -> memref<32x1024xf32, #tpu.memory_space<hbm>>
      %dma_start3A_213 = arith.constant 0 : i32
      %dma_start3A_214 = tpu.memref_slice %arg6[%add3A_210, %dma_start3A_213] : memref<51200x1024xf32, #tpu.memory_space<hbm>> -> memref<32x1024xf32, #tpu.memory_space<hbm>>
      tpu.enqueue_dma source(%arg11 : memref<32x1024xf32, #tpu.memory_space<vmem>>) target(%dma_start3A_214 : memref<32x1024xf32, #tpu.memory_space<hbm>>) target_semaphore(%arg16 : memref<!tpu.dma_semaphore, #tpu.memory_space<semaphore_mem>>)
      %dma_wait3A_215 = arith.constant 0 : i32
      %dma_wait3A_216 = arith.constant 0 : i32
      %dma_wait3A_217 = tpu.memref_slice %arg6[%dma_wait3A_215, %dma_wait3A_216] : memref<51200x1024xf32, #tpu.memory_space<hbm>> -> memref<32x1024xf32, #tpu.memory_space<hbm>>
      %dma_wait3A_218 = arith.constant 0 : i32
      %dma_wait3A_219 = arith.constant 0 : i32
      %dma_wait3A_220 = tpu.memref_slice %arg6[%dma_wait3A_218, %dma_wait3A_219] : memref<51200x1024xf32, #tpu.memory_space<hbm>> -> memref<32x1024xf32, #tpu.memory_space<hbm>>
      tpu.wait_dma2 semaphore(%arg17 : memref<!tpu.dma_semaphore, #tpu.memory_space<semaphore_mem>>) src(%arg12 : memref<32x1024xf32, #tpu.memory_space<vmem>>) dst(%dma_wait3A_220 : memref<32x1024xf32, #tpu.memory_space<hbm>>)
      %add3A_221 = arith.constant 1 : i32
      %add3A_222 = arith.addi %add3A_201, %add3A_221 : i32
      %mul3A_223 = arith.constant 32 : i32
      %mul3A_224 = arith.muli %add3A_222, %mul3A_223 : i32
      %dma_start3A_225 = tpu.memref_slice %arg8[%mul3A_224] : memref<1600xi32, #tpu.memory_space<vmem>> -> memref<32xi32, #tpu.memory_space<vmem>>
      %dma_start3A_226 = arith.constant 0 : i32
      %dma_start3A_227 = arith.constant 0 : i32
      %dma_start3A_228 = tpu.memref_slice %arg2[%dma_start3A_226, %dma_start3A_227] : memref<1000x1024xf32, #tpu.memory_space<hbm>> -> memref<1000x1024xf32, #tpu.memory_space<hbm>>
      tpu.enqueue_indirect_dma source(%dma_start3A_228 : memref<1000x1024xf32, #tpu.memory_space<hbm>>) target(%arg12 : memref<32x1024xf32, #tpu.memory_space<vmem>>) offsets(%dma_start3A_225 : memref<32xi32, #tpu.memory_space<vmem>>) semaphore(%arg15 : memref<!tpu.dma_semaphore, #tpu.memory_space<semaphore_mem>>)
      %iota3A_229 = tpu.iota {dimensions = array<i32: 0>} : vector<16xi32>
      %add3A_230 = arith.constant 0 : i32
      %add3A_231 = vector.broadcast %add3A_230 : i32 to vector<16xi32>
      %add3A_232 = arith.addi %iota3A_229, %add3A_231 : vector<16xi32>
      %mul3A_233 = arith.constant 32 : i32
      %mul3A_234 = arith.muli %add3A_201, %mul3A_233 : i32
      %add3A_235 = arith.constant 0 : i32
      %add3A_236 = arith.addi %mul3A_234, %add3A_235 : i32
      %get3A_237 = arith.index_cast %add3A_236 : i32 to index
      %get3A_238 = tpu.vector_load %arg9[%get3A_237] {strides = array<i32>} : memref<1600xi32, #tpu.memory_space<vmem>>, vector<16xi32>,
      %mul3A_239 = arith.constant 32 : i32
      %mul3A_240 = arith.muli %add3A_201, %mul3A_239 : i32
      %add3A_241 = arith.constant 0 : i32
      %add3A_242 = arith.addi %mul3A_240, %add3A_241 : i32
      %get3A_243 = arith.index_cast %add3A_242 : i32 to index
      %get3A_244 = tpu.vector_load %arg8[%get3A_243] {strides = array<i32>} : memref<1600xi32, #tpu.memory_space<vmem>>, vector<16xi32>,
      %gather3A_245 = tpu.vector_load_idx %arg11[%add3A_232, %get3A_238] : memref<32x1024xf32, #tpu.memory_space<vmem>>[vector<16xi32>, vector<16xi32>], vector<16xf32>,
      %gather3A_246 = tpu.vector_load_idx %arg10[%get3A_244] : memref<1000xf32, #tpu.memory_space<vmem>>[vector<16xi32>], vector<16xf32>,
      %get3A_247 = arith.constant 0 : index
      %get3A_248 = tpu.vector_load %arg13[%get3A_247] {strides = array<i32>} : memref<16xf32, #tpu.memory_space<vmem>>, vector<16xf32>,
      %sub3A_249 = arith.subf %gather3A_246, %gather3A_245 : vector<16xf32>
      %add3A_250 = arith.addf %get3A_248, %sub3A_249 : vector<16xf32>
      %swap3A_251 = arith.constant 0 : index
      %swap3A_252 = tpu.vector_load %arg13[%swap3A_251] {strides = array<i32>} : memref<16xf32, #tpu.memory_space<vmem>>, vector<16xf32>,
      tpu.vector_store %arg13[%swap3A_251], %add3A_250 {strides = array<i32>} : memref<16xf32, #tpu.memory_space<vmem>>, vector<16xf32>,
      %iota3A_253 = tpu.iota {dimensions = array<i32: 0>} : vector<16xi32>
      %add3A_254 = arith.constant 16 : i32
      %add3A_255 = vector.broadcast %add3A_254 : i32 to vector<16xi32>
      %add3A_256 = arith.addi %iota3A_253, %add3A_255 : vector<16xi32>
      %mul3A_257 = arith.constant 32 : i32
      %mul3A_258 = arith.muli %add3A_201, %mul3A_257 : i32
      %add3A_259 = arith.constant 16 : i32
      %add3A_260 = arith.addi %mul3A_258, %add3A_259 : i32
      %get3A_261 = arith.index_cast %add3A_260 : i32 to index
      %get3A_262 = tpu.vector_load %arg9[%get3A_261] {strides = array<i32>} : memref<1600xi32, #tpu.memory_space<vmem>>, vector<16xi32>,
      %mul3A_263 = arith.constant 32 : i32
      %mul3A_264 = arith.muli %add3A_201, %mul3A_263 : i32
      %add3A_265 = arith.constant 16 : i32
      %add3A_266 = arith.addi %mul3A_264, %add3A_265 : i32
      %get3A_267 = arith.index_cast %add3A_266 : i32 to index
      %get3A_268 = tpu.vector_load %arg8[%get3A_267] {strides = array<i32>} : memref<1600xi32, #tpu.memory_space<vmem>>, vector<16xi32>,
      %gather3A_269 = tpu.vector_load_idx %arg11[%add3A_256, %get3A_262] : memref<32x1024xf32, #tpu.memory_space<vmem>>[vector<16xi32>, vector<16xi32>], vector<16xf32>,
      %gather3A_270 = tpu.vector_load_idx %arg10[%get3A_268] : memref<1000xf32, #tpu.memory_space<vmem>>[vector<16xi32>], vector<16xf32>,
      %get3A_271 = arith.constant 0 : index
      %get3A_272 = tpu.vector_load %arg13[%get3A_271] {strides = array<i32>} : memref<16xf32, #tpu.memory_space<vmem>>, vector<16xf32>,
      %sub3A_273 = arith.subf %gather3A_270, %gather3A_269 : vector<16xf32>
      %add3A_274 = arith.addf %get3A_272, %sub3A_273 : vector<16xf32>
      %swap3A_275 = arith.constant 0 : index
      %swap3A_276 = tpu.vector_load %arg13[%swap3A_275] {strides = array<i32>} : memref<16xf32, #tpu.memory_space<vmem>>, vector<16xf32>,
      tpu.vector_store %arg13[%swap3A_275], %add3A_274 {strides = array<i32>} : memref<16xf32, #tpu.memory_space<vmem>>, vector<16xf32>,
    }
    %scan3A_57 = arith.constant 24 : i32
    %dma_wait3A_58 = arith.constant 0 : i32
    %dma_wait3A_59 = arith.constant 0 : i32
    %dma_wait3A_60 = tpu.memref_slice %arg2[%dma_wait3A_58, %dma_wait3A_59] : memref<1000x1024xf32, #tpu.memory_space<hbm>> -> memref<32x1024xf32, #tpu.memory_space<hbm>>
    %dma_wait3A_61 = arith.constant 0 : i32
    %dma_wait3A_62 = arith.constant 0 : i32
    %dma_wait3A_63 = tpu.memref_slice %arg2[%dma_wait3A_61, %dma_wait3A_62] : memref<1000x1024xf32, #tpu.memory_space<hbm>> -> memref<32x1024xf32, #tpu.memory_space<hbm>>
    tpu.wait_dma2 semaphore(%arg15 : memref<!tpu.dma_semaphore, #tpu.memory_space<semaphore_mem>>) src(%dma_wait3A_63 : memref<32x1024xf32, #tpu.memory_space<hbm>>) dst(%arg12 : memref<32x1024xf32, #tpu.memory_space<vmem>>)
    %add3A_64 = arith.constant 1568 : i32
    %add3A_65 = arith.addi %mul3A_4, %add3A_64 : i32
    %dma_start3A_66 = arith.constant 0 : i32
    %dma_start3A_67 = tpu.memref_slice %arg6[%add3A_65, %dma_start3A_66] : memref<51200x1024xf32, #tpu.memory_space<hbm>> -> memref<32x1024xf32, #tpu.memory_space<hbm>>
    %dma_start3A_68 = arith.constant 0 : i32
    %dma_start3A_69 = tpu.memref_slice %arg6[%add3A_65, %dma_start3A_68] : memref<51200x1024xf32, #tpu.memory_space<hbm>> -> memref<32x1024xf32, #tpu.memory_space<hbm>>
    tpu.enqueue_dma source(%arg12 : memref<32x1024xf32, #tpu.memory_space<vmem>>) target(%dma_start3A_69 : memref<32x1024xf32, #tpu.memory_space<hbm>>) target_semaphore(%arg17 : memref<!tpu.dma_semaphore, #tpu.memory_space<semaphore_mem>>)
    %dma_wait3A_70 = arith.constant 0 : i32
    %dma_wait3A_71 = arith.constant 0 : i32
    %dma_wait3A_72 = tpu.memref_slice %arg6[%dma_wait3A_70, %dma_wait3A_71] : memref<51200x1024xf32, #tpu.memory_space<hbm>> -> memref<32x1024xf32, #tpu.memory_space<hbm>>
    %dma_wait3A_73 = arith.constant 0 : i32
    %dma_wait3A_74 = arith.constant 0 : i32
    %dma_wait3A_75 = tpu.memref_slice %arg6[%dma_wait3A_73, %dma_wait3A_74] : memref<51200x1024xf32, #tpu.memory_space<hbm>> -> memref<32x1024xf32, #tpu.memory_space<hbm>>
    tpu.wait_dma2 semaphore(%arg16 : memref<!tpu.dma_semaphore, #tpu.memory_space<semaphore_mem>>) src(%arg11 : memref<32x1024xf32, #tpu.memory_space<vmem>>) dst(%dma_wait3A_75 : memref<32x1024xf32, #tpu.memory_space<hbm>>)
    %iota3A_76 = tpu.iota {dimensions = array<i32: 0>} : vector<16xi32>
    %add3A_77 = arith.constant 0 : i32
    %add3A_78 = vector.broadcast %add3A_77 : i32 to vector<16xi32>
    %add3A_79 = arith.addi %iota3A_76, %add3A_78 : vector<16xi32>
    %get3A_80 = arith.constant 1568 : index
    %get3A_81 = tpu.vector_load %arg9[%get3A_80] {strides = array<i32>} : memref<1600xi32, #tpu.memory_space<vmem>>, vector<16xi32>,
    %get3A_82 = arith.constant 1568 : index
    %get3A_83 = tpu.vector_load %arg8[%get3A_82] {strides = array<i32>} : memref<1600xi32, #tpu.memory_space<vmem>>, vector<16xi32>,
    %gather3A_84 = tpu.vector_load_idx %arg12[%add3A_79, %get3A_81] : memref<32x1024xf32, #tpu.memory_space<vmem>>[vector<16xi32>, vector<16xi32>], vector<16xf32>,
    %gather3A_85 = tpu.vector_load_idx %arg10[%get3A_83] : memref<1000xf32, #tpu.memory_space<vmem>>[vector<16xi32>], vector<16xf32>,
    %get3A_86 = arith.constant 0 : index
    %get3A_87 = tpu.vector_load %arg13[%get3A_86] {strides = array<i32>} : memref<16xf32, #tpu.memory_space<vmem>>, vector<16xf32>,
    %sub3A_88 = arith.subf %gather3A_85, %gather3A_84 : vector<16xf32>
    %add3A_89 = arith.addf %get3A_87, %sub3A_88 : vector<16xf32>
    %swap3A_90 = arith.constant 0 : index
    %swap3A_91 = tpu.vector_load %arg13[%swap3A_90] {strides = array<i32>} : memref<16xf32, #tpu.memory_space<vmem>>, vector<16xf32>,
    tpu.vector_store %arg13[%swap3A_90], %add3A_89 {strides = array<i32>} : memref<16xf32, #tpu.memory_space<vmem>>, vector<16xf32>,
    %iota3A_92 = tpu.iota {dimensions = array<i32: 0>} : vector<16xi32>
    %add3A_93 = arith.constant 16 : i32
    %add3A_94 = vector.broadcast %add3A_93 : i32 to vector<16xi32>
    %add3A_95 = arith.addi %iota3A_92, %add3A_94 : vector<16xi32>
    %get3A_96 = arith.constant 1584 : index
    %get3A_97 = tpu.vector_load %arg9[%get3A_96] {strides = array<i32>} : memref<1600xi32, #tpu.memory_space<vmem>>, vector<16xi32>,
    %get3A_98 = arith.constant 1584 : index
    %get3A_99 = tpu.vector_load %arg8[%get3A_98] {strides = array<i32>} : memref<1600xi32, #tpu.memory_space<vmem>>, vector<16xi32>,
    %gather3A_100 = tpu.vector_load_idx %arg12[%add3A_95, %get3A_97] : memref<32x1024xf32, #tpu.memory_space<vmem>>[vector<16xi32>, vector<16xi32>], vector<16xf32>,
    %gather3A_101 = tpu.vector_load_idx %arg10[%get3A_99] : memref<1000xf32, #tpu.memory_space<vmem>>[vector<16xi32>], vector<16xf32>,
    %get3A_102 = arith.constant 0 : index
    %get3A_103 = tpu.vector_load %arg13[%get3A_102] {strides = array<i32>} : memref<16xf32, #tpu.memory_space<vmem>>, vector<16xf32>,
    %sub3A_104 = arith.subf %gather3A_101, %gather3A_100 : vector<16xf32>
    %add3A_105 = arith.addf %get3A_103, %sub3A_104 : vector<16xf32>
    %swap3A_106 = arith.constant 0 : index
    %swap3A_107 = tpu.vector_load %arg13[%swap3A_106] {strides = array<i32>} : memref<16xf32, #tpu.memory_space<vmem>>, vector<16xf32>,
    tpu.vector_store %arg13[%swap3A_106], %add3A_105 {strides = array<i32>} : memref<16xf32, #tpu.memory_space<vmem>>, vector<16xf32>,
    %dma_wait3A_108 = arith.constant 0 : i32
    %dma_wait3A_109 = arith.constant 0 : i32
    %dma_wait3A_110 = tpu.memref_slice %arg6[%dma_wait3A_108, %dma_wait3A_109] : memref<51200x1024xf32, #tpu.memory_space<hbm>> -> memref<32x1024xf32, #tpu.memory_space<hbm>>
    %dma_wait3A_111 = arith.constant 0 : i32
    %dma_wait3A_112 = arith.constant 0 : i32
    %dma_wait3A_113 = tpu.memref_slice %arg6[%dma_wait3A_111, %dma_wait3A_112] : memref<51200x1024xf32, #tpu.memory_space<hbm>> -> memref<32x1024xf32, #tpu.memory_space<hbm>>
    tpu.wait_dma2 semaphore(%arg17 : memref<!tpu.dma_semaphore, #tpu.memory_space<semaphore_mem>>) src(%arg12 : memref<32x1024xf32, #tpu.memory_space<vmem>>) dst(%dma_wait3A_113 : memref<32x1024xf32, #tpu.memory_space<hbm>>)
    "tpu.region"() ({
      %run_scoped3A = tpu.sem_alloc : memref<!tpu.dma_semaphore, #tpu.memory_space<semaphore_mem>>
      %dma_start3A_114 = arith.constant 0 : i32
      %dma_start3A_115 = tpu.memref_slice %arg7[%add3A, %dma_start3A_114] : memref<32x16xf32, #tpu.memory_space<hbm>> -> memref<1x16xf32, #tpu.memory_space<hbm>>
      %dma_start3A_116 = tpu.memref_squeeze %dma_start3A_115 : memref<1x16xf32, #tpu.memory_space<hbm>> -> memref<16xf32, #tpu.memory_space<hbm>>
      %dma_start3A_117 = arith.constant 0 : i32
      %dma_start3A_118 = tpu.memref_slice %arg7[%add3A, %dma_start3A_117] : memref<32x16xf32, #tpu.memory_space<hbm>> -> memref<1x16xf32, #tpu.memory_space<hbm>>
      %dma_start3A_119 = tpu.memref_squeeze %dma_start3A_118 : memref<1x16xf32, #tpu.memory_space<hbm>> -> memref<16xf32, #tpu.memory_space<hbm>>
      tpu.enqueue_dma source(%arg13 : memref<16xf32, #tpu.memory_space<vmem>>) target(%dma_start3A_119 : memref<16xf32, #tpu.memory_space<hbm>>) target_semaphore(%run_scoped3A : memref<!tpu.dma_semaphore, #tpu.memory_space<semaphore_mem>>)
      %dma_wait3A_120 = arith.constant 0 : i32
      %dma_wait3A_121 = tpu.memref_slice %arg7[%add3A, %dma_wait3A_120] : memref<32x16xf32, #tpu.memory_space<hbm>> -> memref<1x16xf32, #tpu.memory_space<hbm>>
      %dma_wait3A_122 = tpu.memref_squeeze %dma_wait3A_121 : memref<1x16xf32, #tpu.memory_space<hbm>> -> memref<16xf32, #tpu.memory_space<hbm>>
      %dma_wait3A_123 = arith.constant 0 : i32
      %dma_wait3A_124 = tpu.memref_slice %arg7[%add3A, %dma_wait3A_123] : memref<32x16xf32, #tpu.memory_space<hbm>> -> memref<1x16xf32, #tpu.memory_space<hbm>>
      %dma_wait3A_125 = tpu.memref_squeeze %dma_wait3A_124 : memref<1x16xf32, #tpu.memory_space<hbm>> -> memref<16xf32, #tpu.memory_space<hbm>>
      tpu.wait_dma2 semaphore(%run_scoped3A : memref<!tpu.dma_semaphore, #tpu.memory_space<semaphore_mem>>) src(%arg13 : memref<16xf32, #tpu.memory_space<vmem>>) dst(%dma_wait3A_125 : memref<16xf32, #tpu.memory_space<hbm>>)
      tpu.yield
    }) : () -> ()
    return
  }
}

module attributes {stable_mosaic.version = 14 : i64} {
  func.func @_lz_body(%arg0: memref<1000x1000xf32, #tpu.memory_space<vmem>>, %arg1: memref<1000x1xf32, #tpu.memory_space<vmem>>) attributes {dimension_semantics = [], scalar_prefetch = 0 : i64, scratch_operands = 0 : i64, tpu.core_type = #tpu.core_type<tc>} {
    %get3A = arith.constant 0 : index
    %get3A_0 = arith.constant 0 : index
    %get3A_1 = vector.load %arg0[%get3A, %get3A_0] : memref<1000x1000xf32, #tpu.memory_space<vmem>>, vector<1000x1000xf32>
    %reduce_max3A = arith.constant dense<0xFF800000> : vector<1000xf32>
    %reduce_max3A_2 = vector.multi_reduction <maximumf>, %get3A_1, %reduce_max3A [1] : vector<1000x1000xf32> to vector<1000xf32>
    %broadcast_in_dim3A = vector.shape_cast %reduce_max3A_2 : vector<1000xf32> to vector<1000x1xf32>
    %sub3A = vector.broadcast %broadcast_in_dim3A : vector<1000x1xf32> to vector<1000x1000xf32>
    %sub3A_3 = arith.subf %get3A_1, %sub3A : vector<1000x1000xf32>
    %exp3A = math.exp %sub3A_3 : vector<1000x1000xf32>
    %reduce_sum3A = arith.constant dense<0.000000e+00> : vector<1000xf32>
    %reduce_sum3A_4 = vector.multi_reduction <add>, %exp3A, %reduce_sum3A [1] : vector<1000x1000xf32> to vector<1000xf32>
    %broadcast_in_dim3A_5 = vector.shape_cast %reduce_sum3A_4 : vector<1000xf32> to vector<1000x1xf32>
    %log3A = math.log %broadcast_in_dim3A_5 : vector<1000x1xf32>
    %add3A = arith.addf %log3A, %broadcast_in_dim3A : vector<1000x1xf32>
    %swap3A = arith.constant 0 : index
    %swap3A_6 = arith.constant 0 : index
    %swap3A_7 = vector.load %arg1[%swap3A, %swap3A_6] : memref<1000x1xf32, #tpu.memory_space<vmem>>, vector<1000x1xf32>
    tpu.vector_store %arg1[%swap3A, %swap3A_6], %add3A {strides = array<i32>} : memref<1000x1xf32, #tpu.memory_space<vmem>>, vector<1000x1xf32>,
    return
  }
}

module attributes {stable_mosaic.version = 14 : i64} {
  func.func @_fin_body(%arg0: memref<32x16xf32, #tpu.memory_space<vmem>>, %arg1: memref<1x1xf32, #tpu.memory_space<vmem>>) attributes {dimension_semantics = [], scalar_prefetch = 0 : i64, scratch_operands = 0 : i64, tpu.core_type = #tpu.core_type<tc>} {
    %get3A = arith.constant 0 : index
    %get3A_0 = arith.constant 0 : index
    %get3A_1 = vector.load %arg0[%get3A, %get3A_0] : memref<32x16xf32, #tpu.memory_space<vmem>>, vector<32x16xf32>
    %reduce_sum3A = vector.shape_cast %get3A_1 : vector<32x16xf32> to vector<1x32x16xf32>
    %reduce_sum3A_2 = arith.constant dense<0.000000e+00> : vector<1xf32>
    %reduce_sum3A_3 = vector.multi_reduction <add>, %reduce_sum3A, %reduce_sum3A_2 [1, 2] : vector<1x32x16xf32> to vector<1xf32>
    %reduce_sum3A_4 = vector.shape_cast %reduce_sum3A_3 : vector<1xf32> to vector<1x1x1xf32>
    %reduce_sum3A_5 = vector.extract %reduce_sum3A_4[0, 0, 0] : f32 from vector<1x1x1xf32>
    %broadcast_in_dim3A = vector.broadcast %reduce_sum3A_5 : f32 to vector<1x1xf32>
    %mul3A = arith.constant 1.95312496E-5 : f32
    %mul3A_6 = vector.broadcast %mul3A : f32 to vector<1x1xf32>
    %mul3A_7 = arith.mulf %broadcast_in_dim3A, %mul3A_6 : vector<1x1xf32>
    %swap3A = arith.constant 0 : index
    %swap3A_8 = arith.constant 0 : index
    %swap3A_9 = vector.load %arg1[%swap3A, %swap3A_8] : memref<1x1xf32, #tpu.memory_space<vmem>>, vector<1x1xf32>
    tpu.vector_store %arg1[%swap3A, %swap3A_8], %mul3A_7 {strides = array<i32>} : memref<1x1xf32, #tpu.memory_space<vmem>>, vector<1x1xf32>,
    return
  }
}

</mosaic_0001>

<sc_bundles>
// kernel: kernel.5.cloned.1.call-start
scs
__scs_entry_jumppad:
0x0: {  	(pc) =	sbr.rel $0x88, $3  }
0x1: {  	(tag) =	ssettag $0x0;
	lr =	simm.s32 $0x1  }
0x2: {  	[smem:$0x3F9E] =	sst lr;
	_ =	strace $0xD0000000  }
0x3: {  	_ = 	snop  }
0x4: {  	_ = 	snop  }
0x5: {  	_ = 	snop  }
0x6: {  	_ = 	snop  }
0x7: {  	_ = 	snop  }
__scs_overlays_trampoline_lowered:
0x8: {  	[smem:$0x3FAD] =	sst s0  }
0x9: {  	[smem:$0x3FAE] =	sst s1  }
0xa: {  	[smem:$0x3FAF] =	sst s2  }
0xb: {  	[smem:$0x3FB0] =	sst s3  }
0xc: {  	[smem:$0x3FB1] =	sst s4  }
0xd: {  	[smem:$0x3FB2] =	sst s5  }
0xe: {  	[smem:$0x3FB3] =	sst s6  }
0xf: {  	[smem:$0x3FB4] =	sst s7  }
0x10: {  	[smem:$0x3FB5] =	sst s8  }
0x11: {  	[smem:$0x3FB6] =	sst s9;
	s0 =	simm.s32 @!p0 $0x0  }
0x12: {  	s1 =	sld [smem:$0x3F9C];
	s0 =	simm.s32 @p0 $0x1  }
0x13: {  	[smem:$0x3FB7] =	sst s0;
	s0 =	simm.s32 @!p1 $0x0  }
0x14: {  	s2 =	sld [smem:$0x3F9B];
	s0 =	simm.s32 @p1 $0x1  }
0x15: {  	[smem:$0x3FB8] =	sst s0;
	s0 =	simm.s32 @!p2 $0x0  }
0x16: {  	s3 =	sld [smem:$0x3FDB];
	s0 =	simm.s32 @p2 $0x1  }
0x17: {  	s4 =	simm.s32 $0x1BF5;
	[smem:$0x3FBA] =	sst s0  }
0x18: {  	s0 =	sld [smem:$0x3F9D];
	_ =	swait.ge [sflag:s4], $0x0  }
0x19: {  	s7 =	sld [smem:$0x3F9E]  }
0x1a: {  	s8 =	sadd.s32 $0xFFFFE003, lr  }
0x1b: {  	s9 =	sadd.s32 $0xFFFFFEF7, lr;
	s5 =	simm.s32 $0xFFFFFFFF;
	p2 =	slt.u32 s8, $0xFFFFF086  }
0x1c: {  	p1 =	slt.u32 s9, $0xF7A;
	s5 =	simm.s32 @!p2 $0x0  }
0x1d: {  	s5 =	simm.s32 @p1 $0x1;
	p0 =	seq.s32 s7, s2  }
0x1e: {  	s7 =	smul.u32 @!p0 $0xF7A, s2;
	p2 =	seq.s32 @!p0 s5, $0x0  }
0x1f: {  	s9 =	smul.u32 $0xF7A, s1;
	s8 =	simm.s32 @!p0 $0x1BF5;
	p2 =	por !p2, p0  }
0x20: {  	[sflag:s8] =	ssyncset.s32 @!p0 $0xFFFFF086;
	s6 =	sadd.s32 @!p0 s3, s7;
	s7 =	simm.s32 @!p0 $0x108  }
0x21: {  	s3 =	sadd.s32 s3, s9;
	s6 =	sadd.s32 @!p0 $0x88, s6;
	s7 =	simm.s32 @p2 $0x1082  }
0x22: {  	[simem:s7], [sflag:s8] =	dma.local @!p0 [hbm:s6], $0xF7A  }
0x23: {  	s9 =	sor.u32 $0xD0000000, s2;
	s6 =	simm.s32 $0x108;
	_ =	swait.ge @!p0 [sflag:s8], $0x0  }
0x24: {  	s3 =	sadd.s32 $0x88, s3;
	s6 =	simm.s32 @!p1 $0x1082;
	[sflag:s4] =	ssyncset.s32 $0xFFFFF086  }
0x25: {  	[simem:s6], [sflag:s4] =	dma.local [hbm:s3], $0xF7A  }
0x26: {  	[smem:$0x3F9E] =	sst s1;
	(tag) =	ssettag s2;
	_ =	strace s9  }
0x27: {  	s1 =	sld [smem:$0x3FAE]  }
0x28: {  	s2 =	sld [smem:$0x3FAF]  }
0x29: {  	s4 =	sld [smem:$0x3FB1]  }
0x2a: {  	p0 =	seq.s32 s5, $0x0;
	s5 =	sld [smem:$0x3FB2]  }
0x2b: {  	s6 =	sld [smem:$0x3FB3]  }
0x2c: {  	s7 =	sld [smem:$0x3FB4]  }
0x2d: {  	s3 =	simm.s32 $0x108;
	s8 =	sld [smem:$0x3FB5]  }
0x2e: {  	s3 =	simm.s32 @!p0 $0x1082;
	s9 =	sld [smem:$0x3FB6]  }
0x2f: {  	lr =	sadd.s32 s0, s3;
	s0 =	sld [smem:$0x3FAD]  }
0x30: {  	s3 =	sld [smem:$0x3FB0]  }
0x31: {  	[smem:$0x3FB9] =	sst s10  }
0x32: {  	s10 =	sld [smem:$0x3FB7];
	_ =	sdelay $0x3  }
0x33: {  	p0 =	seq.s32 s10, $0x1;
	s10 =	sld [smem:$0x3FB9];
	_ =	sdelay $0x3  }
0x34: {  	[smem:$0x3FB9] =	sst s10  }
0x35: {  	s10 =	sld [smem:$0x3FB8];
	_ =	sdelay $0x3  }
0x36: {  	p1 =	seq.s32 s10, $0x1;
	s10 =	sld [smem:$0x3FB9];
	_ =	sdelay $0x3  }
0x37: {  	[smem:$0x3FB9] =	sst s10  }
0x38: {  	s10 =	sld [smem:$0x3FBA]  }
0x39: {  	_ = 	snop;
	(pc) =	sbr.ind lr, $3  }
0x3a: {  	_ = 	snop  }
0x3b: {  	_ = 	snop  }
0x3c: {  	p2 =	seq.s32 s10, $0x1;
	s10 =	sld [smem:$0x3FB9]  }
0x3d: {  	_ =	shalt  }
0x3e: {  	_ =	shalt  }
0x3f: {  	_ =	shalt  }
0x40: {  	_ =	shalt  }
0x41: {  	_ =	shalt  }
0x42: {  	_ =	shalt  }
0x43: {  	_ =	shalt  }
0x44: {  	_ =	shalt  }
0x45: {  	_ =	shalt  }
0x46: {  	_ =	shalt  }
0x47: {  	_ =	shalt  }
0x48: {  	_ =	shalt  }
0x49: {  	_ =	shalt  }
0x4a: {  	_ =	shalt  }
0x4b: {  	_ =	shalt  }
0x4c: {  	_ =	shalt  }
0x4d: {  	_ =	shalt  }
0x4e: {  	_ =	shalt  }
0x4f: {  	_ =	shalt  }
0x50: {  	_ =	shalt  }
0x51: {  	_ =	shalt  }
0x52: {  	_ =	shalt  }
0x53: {  	_ =	shalt  }
0x54: {  	_ =	shalt  }
0x55: {  	_ =	shalt  }
0x56: {  	_ =	shalt  }
0x57: {  	_ =	shalt  }
0x58: {  	_ =	shalt  }
0x59: {  	_ =	shalt  }
0x5a: {  	_ =	shalt  }
0x5b: {  	_ =	shalt  }
0x5c: {  	_ =	shalt  }
0x5d: {  	_ =	shalt  }
0x5e: {  	_ =	shalt  }
0x5f: {  	_ =	shalt  }
0x60: {  	_ =	shalt  }
0x61: {  	_ =	shalt  }
0x62: {  	_ =	shalt  }
0x63: {  	_ =	shalt  }
0x64: {  	_ =	shalt  }
0x65: {  	_ =	shalt  }
0x66: {  	_ =	shalt  }
0x67: {  	_ =	shalt  }
0x68: {  	_ =	shalt  }
0x69: {  	_ =	shalt  }
0x6a: {  	_ =	shalt  }
0x6b: {  	_ =	shalt  }
0x6c: {  	_ =	shalt  }
0x6d: {  	_ =	shalt  }
0x6e: {  	_ =	shalt  }
0x6f: {  	_ =	shalt  }
0x70: {  	_ =	shalt  }
0x71: {  	_ =	shalt  }
0x72: {  	_ =	shalt  }
0x73: {  	_ =	shalt  }
0x74: {  	_ =	shalt  }
0x75: {  	_ =	shalt  }
0x76: {  	_ =	shalt  }
0x77: {  	_ =	shalt  }
0x78: {  	_ =	shalt  }
0x79: {  	_ =	shalt  }
0x7a: {  	_ =	shalt  }
0x7b: {  	_ =	shalt  }
0x7c: {  	_ =	shalt  }
0x7d: {  	_ =	shalt  }
0x7e: {  	_ =	shalt  }
0x7f: {  	_ =	shalt  }
0x80: {  	_ =	shalt  }
0x81: {  	_ =	shalt  }
0x82: {  	_ =	shalt  }
0x83: {  	_ =	shalt  }
0x84: {  	_ =	shalt  }
0x85: {  	_ =	shalt  }
0x86: {  	_ =	shalt  }
0x87: {  	_ =	shalt  }
.Lfunc_end0:
.L_simem_size_0:
called_computation.1_lowered:
.L_overlay_start_0:
0x88: {  	s2 =	sld [smem:$0x3FD9]  }
0x89: {  	s3 =	sld [smem:$0x3FFE];
	_ =	sdelay $0x1  }
0x8a: {  	s1 =	srdreg.scid  }
0x8b: {  	s0 =	sand.u32 $0x1, s1  }
0x8c: {  	s14 =	sshll.u32 s0, $0xA;
	s2 =	sadd.s32 s3, s2  }
0x8d: {  	s2 =	sadd.s32 s2, s14  }
0x8e: {  	[smem:$0x3FC5] =	sst s2  }
0x8f: {  	_ = 	snop  }
0x90: {  	s2 =	sld [smem:$0x3FD0];
	_ =	sdelay $0x2  }
0x91: {  	s15 =	simm.s32 $0xA;
	s4 =	simm.s32 $0x10  }
0x92: {  	[smem:s4], [sflag:s15] =	dma.local [hbm:s2], $0x1  }
0x93: {  	_ =	swait.eq [sflag:s15], $0x1  }
0x94: {  	[sflag:s15] =	ssyncset.done $0x0  }
0x95: {  	[sflag:s15] =	ssyncadd.s32 $0xFFFFFFFF  }
0x96: {  	s16 =	sld [smem:$0x10];
	(tm) =	ssettm $0x1  }
0x97: {  	s17 =	sld [smem:$0x3FFB];
	_ =	sdelay $0x3  }
0x98: {  	_ =	strace s17  }
0x99: {  	s3 =	sld [smem:$0x3FFC];
	_ =	sdelay $0x3  }
0x9a: {  	_ =	strace s3  }
0x9b: {  	s3 =	sld [smem:$0x3FFD];
	_ =	sdelay $0x3  }
0x9c: {  	_ =	strace s3  }
0x9d: {  	_ =	strace $0x8FFFFFFF  }
0x9e: {  	s18 =	sld [smem:$0x3FDB];
	_ =	sdelay $0x1  }
0x9f: {  	s19 =	simm.s32 $_scs_section_size  }
0xa0: {  	s5 =	simm.s32 $_size__tile_overlayer_lowered;
	s6 =	simm.s32 $_tile_overlayer_lowered  }
0xa1: {  	s22 =	simm.s32 $0x1BFF;
	s21 =	sshll.u32 s6, $0x1;
	s3 =	sadd.s32 s19, s18  }
0xa2: {  	s7 =	simm.s32 $0x0;
	s20 =	sshll.u32 s5, $0x1;
	s5 =	sadd.s32 s21, s3  }
0xa3: {  	[timem:s7], [sflag:s22] =	dma.local [hbm:s5], s20  }
0xa4: {  	_ =	swait.ge [sflag:s22], s20  }
0xa5: {  	s4 =	ssub.s32 $0x0, s20;
	[sflag:s22] =	ssyncset.done $0x0  }
0xa6: {  	[sflag:s22] =	ssyncadd.s32 s4;
	_ =	sdelay $0x1  }
0xa7: {  	s23 =	simm.s32 $0x1B8B  }
0xa8: {  	_ =	swait.ge [sflag:s23], $0x1  }
0xa9: {  	[sflag:s23] =	ssyncset.done $0x0  }
0xaa: {  	s25 =	simm.s32 $0x1B8E;
	s24 =	sld [smem:$0x3FFE];
	[sflag:s23] =	ssyncadd.s32 $0xFFFFFFFF  }
0xab: {  	s26 =	simm.s32 $execute0_lowered;
	[smem:$0x3FD2] =	sst s25  }
0xac: {  	s5 =	sshll.u32 s26, $0x1;
	_ =	strace $0x80000046;
	[dreg:$0x1] =	wrdreg $0xFFFFFFFF  }
0xad: {  	s28 =	simm.s32 $_size_execute0_lowered;
	s3 =	sadd.s32 s3, s5;
	[dreg:$0x0] =	wrdreg $0x0  }
0xae: {  	s5 =	sshll.u32 s28, $0x1;
	[dreg:$0x2] =	wrdreg s3  }
0xaf: {  	[dreg:$0x3] =	wrdreg s5  }
0xb0: {  	[dreg:$0x4] =	wrdreg $0xC0  }
0xb1: {  	_ =	task [dreg:s7], $0x5FFFF  }
0xb2: {  	[dreg:$0x1] =	wrdreg $0xFFFFFFFF  }
0xb3: {  	[dreg:$0x0] =	wrdreg $0x60  }
0xb4: {  	[dreg:$0x2] =	wrdreg s16  }
0xb5: {  	[dreg:$0x3] =	wrdreg s24  }
0xb6: {  	[dreg:$0x4] =	wrdreg $0x9  }
0xb7: {  	_ =	task.clear_ibuf [dreg:s7], $0x5FFFF;
	_ =	strace $0x90000046  }
0xb8: {  	s29 =	simm.s32 $0x9;
	_ =	strace $0x80000048  }
0xb9: {  	_ =	swait.ge [sflag:s29], $0x1  }
0xba: {  	[sflag:s29] =	ssyncadd.s32 $0xFFFFFFFF  }
0xbb: {  	_ =	strace $0x90000048  }
0xbc: {  	_ =	sfence  }
0xbd: {  	s30 =	sld [smem:$0x0];
	_ =	sdelay $0x2  }
0xbe: {  	s31 =	sshll.u32 s1, $0xD;
	s1 =	sshrl.u32 s1, $0x2  }
0xbf: {  	s3 =	sand.u32 $0x4000, s31;
	s1 =	sadd.s32 s1, s30  }
0xc0: {  	s0 =	sor.u32 s3, s0;
	s1 =	sshll.u32 s1, $0x11  }
0xc1: {  	s0 =	sor.u32 s1, s0  }
0xc2: {  	s0 =	sadd.s32 $0x8F2B, s0  }
0xc3: {  	[sflag:s0] =	ssyncadd.remote.s32 $0x1  }
0xc4: {  	_ =	sfence.sel $0xFFFF  }
0xc5: {  	[dreg:$0x0] =	wrdreg $0xFFFFFFFF;
	(pc) =	sbr.abs _section_cstart, $3  }
0xc6: {  	[dreg:$0x1] =	wrdreg $0xFFFFFFFF  }
0xc7: {  	_ =	task.clear_ibuf [dreg:s7], $0x2FFFF;
	_ =	strace $0x9FFFFFFF  }
0xc8: {  	(tm) =	ssettm $0x7FFFFFFF  }
0xc9: {  	_ =	shalt  }
tec
execute0_lowered:
.L_overlay_start_1:
0x0: {  	(tag) =	ssettag $0x1  }
0x1: {  	s0 =	srdreg.scid  }
0x2: {  	s9 =	stileid.u32;
	s2 =	rddreg [dreg:$0x0]  }
0x3: {  	s6 =	rddreg [dreg:$0x1];
	s18 =	simm.s32 $0x5;
	s19 =	simm.s32 $0xD00  }
0x4: {  	s30 =	simm.s32 $0x2;
	s31 =	simm.s32 $0x3;
	s12 =	simm.s32 $0xA100  }
0x5: {  	s15 =	simm.s32 $0xA900;
	s16 =	simm.s32 $0xB100;
	s13 =	simm.s32 $0xB900  }
0x6: {  	s14 =	simm.s32 $0xC100;
	s17 =	simm.s32 $0xC900;
	s28 =	simm.s32 $0x10100  }
0x7: {  	s29 =	simm.s32 $0x10900;
	s0 =	sand.u32 $0x1, s0;
	s1 =	sshll.u32 s9, $0x1  }
0x8: {  	s4 =	sshrl.u32 s9, $0x2;
	s8 =	sadd.s32 $0x4000, s6;
	s24 =	smul.u32 $0x64000, s9  }
0x9: {  	v3 =	vlaneseq.u32;
	v0 =	vimm.f32 $0.0e+00;
	vm0 =	vmmov $0xffff;
	s10 =	sadd.s32 $0x4400, s6;
	s9 =	sadd.s32 $0x300, s2;
	s5 =	smul.u32 $0x3400, s4  }
0xa: {  	v4 =	vimm.s32 $0x2380;
	vm1 =	vcmask $0x300;
	v5 =	vimm.s32 $0x6380;
	s1 =	sor.u32 s0, s1;
	s20 =	ssub.s32 $0x2, s0;
	s0 =	smul.u32 $0x32000, s0  }
0xb: {  	vm2 =	vcmask $0x704;
	v2 =	vshrl.u32 v3, $0x3;
	v1 =	vand.u32 $0x7, v3;
	s4 =	sshll.u32 s4, $0xA;
	s3 =	sshll.u32 s1, $0x7;
	s11 =	smul.u32 $0x32000, s1  }
0xc: {  	v4 =	vsel vm1, $0x0, v4;
	v5 =	vsel vm1, $0x4000, v5;
	vm1 =	vcmask $0xB08;
	s21 =	sshrl.u32 s20, $0x1;
	s1 =	smul.u32 $0x190000, s1;
	s7 =	sand.u32 $0x380, s3  }
0xd: {  	v3 =	vor.u32 $0x8, v3;
	v4 =	vsel vm2, $0x80, v4;
	v5 =	vsel vm2, $0x4080, v5;
	s3 =	simm.s32 $0x0;
	s22 =	ssub.s32 s20, s21;
	s20 =	simm.s32 $0x1100  }
0xe: {  	vm2 =	vcmask $0xF0C;
	v4 =	vsel vm1, $0x100, v4;
	v5 =	vsel vm1, $0x4100, v5;
	s21 =	simm.s32 $0xD100;
	s5 =	sor.u32 s5, s7;
	[smem:$0x7FF] =	sst s3  }
0xf: {  	vm1 =	vcmask $0x1310;
	v4 =	vsel vm2, $0x180, v4;
	v5 =	vsel vm2, $0x4180, v5;
	s4 =	sor.u32 s4, s7;
	s7 =	sadd.s32 $0x100, s2;
	s1 =	sshrl.u32 s1, $0x3  }
0x10: {  	vm2 =	vcmask $0x1714;
	s11 =	sadd.s32 s10, s11;
	s26 =	smax.u32 s22, $0x1;
	v4 =	vsel vm1, $0x200, v4;
	v5 =	vsel vm1, $0x4200, v5;
	s22 =	simm.s32 $0xD900  }
0x11: {  	vm1 =	vcmask $0x1B18;
	s5 =	sshrl.u32 s5, $0x3;
	_ =	strace $0x80000047;
	[dreg:$0x3] =	wrdreg s8;
	v4 =	vsel vm2, $0x280, v4;
	v5 =	vsel vm2, $0x4280, v5  }
0x12: {  	s4 =	sshrl.u32 s4, $0x3;
	s8 =	sadd.s32 $0x200, s2;
	[dreg:$0x6] =	wrdreg s11;
	vm2 =	vcmask $0x1F1C;
	v4 =	vsel vm1, $0x300, v4;
	v5 =	vsel vm1, $0x4300, v5  }
0x13: {  	s1 =	sadd.s32 s10, s1;
	[dreg:$0x9] =	wrdreg s26;
	s26 =	simm.s32 $0xF900;
	vm1 =	vcmask $0x2320;
	v4 =	vsel vm2, $0x380, v4;
	v5 =	vsel vm2, $0x4380, v5  }
0x14: {  	s5 =	sadd.s32 s5, s6;
	s4 =	sadd.s32 s4, s6;
	s1 =	sadd.s32 $0x31000, s1;
	vm2 =	vcmask $0x2724;
	v4 =	vsel vm1, $0x2000, v4;
	v5 =	vsel vm1, $0x6000, v5  }
0x15: {  	s6 =	simm.s32 $0x1;
	s23 =	sadd.s32 $0xC00, s5;
	[dreg:$0x7] =	wrdreg s1;
	vm1 =	vcmask $0x2B28;
	v4 =	vsel vm2, $0x2080, v4;
	v5 =	vsel vm2, $0x6080, v5  }
0x16: {  	s5 =	sadd.s32 $0x2600, s5;
	s25 =	sadd.s32 $0x4200, s4;
	[dreg:$0x4] =	wrdreg s23;
	vm2 =	vcmask $0x2F2C;
	v4 =	vsel vm1, $0x2100, v4;
	v5 =	vsel vm1, $0x6100, v5  }
0x17: {  	s1 =	simm.s32 $0x4;
	[dreg:$0x5] =	wrdreg s5;
	s5 =	sadd.s32 s24, s10;
	vm1 =	vcmask $0x3330;
	v4 =	vsel vm2, $0x2180, v4;
	v5 =	vsel vm2, $0x6180, v5  }
0x18: {  	s4 =	simm.s32 $0x0;
	[dreg:$0x8] =	wrdreg s25;
	s0 =	sadd.s32 s0, s5;
	vm2 =	vcmask $0x3734;
	v4 =	vsel vm1, $0x2200, v4;
	v5 =	vsel vm1, $0x6200, v5  }
0x19: {  	s10 =	simm.s32 $0x9100;
	s23 =	simm.s32 $0xE100;
	s0 =	sadd.s32 $0x1000, s0;
	vm1 =	vcmask $0x3B38;
	v4 =	vsel vm2, $0x2280, v4;
	v5 =	vsel vm2, $0x6280, v5  }
0x1a: {  	v2 =	vmul.u32 $0x8, v2;
	s24 =	simm.s32 $0xE900;
	s25 =	simm.s32 $0xF100;
	[dreg:$0xa] =	wrdreg s0;
	v4 =	vsel vm1, $0x2300, v4;
	v5 =	vsel vm1, $0x6300, v5  }
.LBB2_1:
0x1b: {  	[dreg:$0xb] =	wrdreg s4  }
0x1c: {  	s0 =	rddreg [dreg:$0x4];
	s4 =	simm.s32 $0x80;
	s5 =	simm.s32 $0x400  }
0x1d: {  	[tilespmem:s3], [sflag:$0x5] =	stream.strided.gather [hbm4b:s0+s4], $0x680, s5, s4, $0x38;
	[tilespmem:$0x11180] =	vst v63  }
0x1e: {  	_ =	swait.ge [sflag:s18], $0x680  }
0x1f: {  	[sflag:s18] =	ssyncset.done $0x0  }
0x20: {  	s11 =	simm.s32 $0x680;
	s0 =	rddreg [dreg:$0x5];
	[sflag:s18] =	ssyncadd.s32 $0xFFFFF980  }
0x21: {  	[tilespmem:s11], [sflag:$0x5] =	stream.strided.gather [hbm4b:s0+s4], $0x680, s5, s4, $0x38;
	[tilespmem:$0x11180] =	vst v63  }
0x22: {  	_ =	swait.ge [sflag:s18], $0x680  }
0x23: {  	[sflag:s18] =	ssyncset.done $0x0  }
0x24: {  	s11 =	rddreg [dreg:$0x3];
	[sflag:s18] =	ssyncadd.s32 $0xFFFFF980  }
0x25: {  	[tilespmem:s19], [sflag:$0x5] =	stream.linear.gather [hbm4b:s11+s3], $0x400, $0x38;
	[tilespmem:$0x11180] =	vst v63  }
0x26: {  	_ =	swait.ge [sflag:s18], $0x400  }
0x27: {  	[sflag:s18] =	ssyncset.done $0x0  }
0x28: {  	[sflag:s18] =	ssyncadd.s32 $0xFFFFFC00  }
0x29: {  	v6 =	vld [tilespmem:$0x0];
	_ =	sdelay $0x4  }
0x2a: {  	v7 =	vshll.u32 v6, $0x3  }
0x2b: {  	v6 =	vand.u32 $0x7, v6;
	v7 =	vand.u32 $0xFFFFFFC0, v7  }
0x2c: {  	v6 =	vor.u32 v6, v7  }
0x2d: {  	v7 =	vperm.xlane v6, v1;
	_ =	sdelay $0x1  }
0x2e: {  	v7 =	vadd.s32 v2, v7;
	_ =	sdelay $0x3  }
0x2f: {  	[tilespmem:$0x11100] =	vst v0  }
0x30: {  	[tilespmem:s20], [sflag:$0x1] =	stream.indirect_vreg.gather [hbm4b:s2+s3], $0x80, v7, vm0, $0xb8;
	[tilespmem:$0x11180] =	vst v63  }
0x31: {  	s5 =	simm.s32 $0x1900;
	v6 =	vperm.xlane v6, v3  }
0x32: {  	[tilespmem:s5], [sflag:$0x1] =	stream.indirect_vreg.gather [hbm4b:s7+s3], $0x80, v7, vm0, $0xb8;
	[tilespmem:$0x11180] =	vst v63  }
0x33: {  	v6 =	vadd.s32 v2, v6;
	s5 =	simm.s32 $0x2100  }
0x34: {  	[tilespmem:s5], [sflag:$0x1] =	stream.indirect_vreg.gather [hbm4b:s8+s3], $0x80, v7, vm0, $0xb8;
	[tilespmem:$0x11180] =	vst v63  }
0x35: {  	s11 =	simm.s32 $0x2900  }
0x36: {  	[tilespmem:s11], [sflag:$0x1] =	stream.indirect_vreg.gather [hbm4b:s9+s3], $0x80, v7, vm0, $0xb8;
	[tilespmem:$0x11180] =	vst v63  }
0x37: {  	s18 =	simm.s32 $0x3100  }
0x38: {  	[tilespmem:s18], [sflag:$0x1] =	stream.indirect_vreg.gather [hbm4b:s2+s3], $0x80, v6, vm0, $0xb8;
	[tilespmem:$0x11180] =	vst v63  }
0x39: {  	s4 =	simm.s32 $0x3900  }
0x3a: {  	[tilespmem:s4], [sflag:$0x1] =	stream.indirect_vreg.gather [hbm4b:s7+s3], $0x80, v6, vm0, $0xb8;
	[tilespmem:$0x11180] =	vst v63  }
0x3b: {  	s5 =	simm.s32 $0x4100  }
0x3c: {  	[tilespmem:s5], [sflag:$0x1] =	stream.indirect_vreg.gather [hbm4b:s8+s3], $0x80, v6, vm0, $0xb8;
	[tilespmem:$0x11180] =	vst v63  }
0x3d: {  	s11 =	simm.s32 $0x4900  }
0x3e: {  	[tilespmem:s11], [sflag:$0x1] =	stream.indirect_vreg.gather [hbm4b:s9+s3], $0x80, v6, vm0, $0xb8;
	[tilespmem:$0x11180] =	vst v63  }
0x3f: {  	v6 =	vld [tilespmem:$0x10];
	_ =	sdelay $0x4  }
0x40: {  	v7 =	vshll.u32 v6, $0x3  }
0x41: {  	v6 =	vand.u32 $0x7, v6;
	v7 =	vand.u32 $0xFFFFFFC0, v7  }
0x42: {  	v6 =	vor.u32 v6, v7  }
0x43: {  	v7 =	vperm.xlane v6, v1;
	_ =	sdelay $0x1  }
0x44: {  	v7 =	vadd.s32 v2, v7;
	_ =	sdelay $0x3  }
0x45: {  	s18 =	simm.s32 $0x5100  }
0x46: {  	[tilespmem:s18], [sflag:$0x1] =	stream.indirect_vreg.gather [hbm4b:s2+s3], $0x80, v7, vm0, $0xb8;
	[tilespmem:$0x11180] =	vst v63  }
0x47: {  	s4 =	simm.s32 $0x5900;
	v6 =	vperm.xlane v6, v3  }
0x48: {  	[tilespmem:s4], [sflag:$0x1] =	stream.indirect_vreg.gather [hbm4b:s7+s3], $0x80, v7, vm0, $0xb8;
	[tilespmem:$0x11180] =	vst v63  }
0x49: {  	s5 =	simm.s32 $0x6100;
	v6 =	vadd.s32 v2, v6  }
0x4a: {  	[tilespmem:s5], [sflag:$0x1] =	stream.indirect_vreg.gather [hbm4b:s8+s3], $0x80, v7, vm0, $0xb8;
	[tilespmem:$0x11180] =	vst v63  }
0x4b: {  	s11 =	simm.s32 $0x6900  }
0x4c: {  	[tilespmem:s11], [sflag:$0x1] =	stream.indirect_vreg.gather [hbm4b:s9+s3], $0x80, v7, vm0, $0xb8;
	[tilespmem:$0x11180] =	vst v63  }
0x4d: {  	s18 =	simm.s32 $0x7100  }
0x4e: {  	[tilespmem:s18], [sflag:$0x1] =	stream.indirect_vreg.gather [hbm4b:s2+s3], $0x80, v6, vm0, $0xb8;
	[tilespmem:$0x11180] =	vst v63  }
0x4f: {  	s4 =	simm.s32 $0x7900  }
0x50: {  	[tilespmem:s4], [sflag:$0x1] =	stream.indirect_vreg.gather [hbm4b:s7+s3], $0x80, v6, vm0, $0xb8;
	[tilespmem:$0x11180] =	vst v63  }
0x51: {  	s5 =	simm.s32 $0x8100  }
0x52: {  	[tilespmem:s5], [sflag:$0x1] =	stream.indirect_vreg.gather [hbm4b:s8+s3], $0x80, v6, vm0, $0xb8;
	[tilespmem:$0x11180] =	vst v63  }
0x53: {  	s11 =	simm.s32 $0x8900  }
0x54: {  	[tilespmem:s11], [sflag:$0x1] =	stream.indirect_vreg.gather [hbm4b:s9+s3], $0x80, v6, vm0, $0xb8;
	[tilespmem:$0x11180] =	vst v63  }
0x55: {  	_ =	swait.ge [sflag:s6], $0x8000  }
0x56: {  	[sflag:s6] =	ssyncset.done $0x0  }
0x57: {  	s18 =	rddreg [dreg:$0x6];
	[sflag:s6] =	ssyncadd.s32 $0xFFFF8000  }
0x58: {  	[hbm4b:s18+s3] =	stream.linear.scatter [tilespmem:s20], [sflag:$0x3], $0x8000, $0x38;
	[tilespmem:$0x11180] =	vst v63  }
0x59: {  	v6 =	vld [tilespmem:$0x20];
	_ =	sdelay $0x4  }
0x5a: {  	v7 =	vshll.u32 v6, $0x3  }
0x5b: {  	v6 =	vand.u32 $0x7, v6;
	v7 =	vand.u32 $0xFFFFFFC0, v7  }
0x5c: {  	v6 =	vor.u32 v6, v7  }
0x5d: {  	v7 =	vperm.xlane v6, v1;
	_ =	sdelay $0x1  }
0x5e: {  	v7 =	vadd.s32 v2, v7;
	_ =	sdelay $0x4  }
0x5f: {  	[tilespmem:s10], [sflag:$0x2] =	stream.indirect_vreg.gather [hbm4b:s2+s3], $0x80, v7, vm0, $0xb8;
	[tilespmem:$0x11180] =	vst v63  }
0x60: {  	s11 =	simm.s32 $0x9900;
	v6 =	vperm.xlane v6, v3  }
0x61: {  	[tilespmem:s11], [sflag:$0x2] =	stream.indirect_vreg.gather [hbm4b:s7+s3], $0x80, v7, vm0, $0xb8;
	[tilespmem:$0x11180] =	vst v63  }
0x62: {  	v6 =	vadd.s32 v2, v6  }
0x63: {  	[tilespmem:s12], [sflag:$0x2] =	stream.indirect_vreg.gather [hbm4b:s8+s3], $0x80, v7, vm0, $0xb8;
	[tilespmem:$0x11180] =	vst v63  }
0x64: {  	_ = 	snop  }
0x65: {  	[tilespmem:s15], [sflag:$0x2] =	stream.indirect_vreg.gather [hbm4b:s9+s3], $0x80, v7, vm0, $0xb8;
	[tilespmem:$0x11180] =	vst v63  }
0x66: {  	_ = 	snop  }
0x67: {  	[tilespmem:s16], [sflag:$0x2] =	stream.indirect_vreg.gather [hbm4b:s2+s3], $0x80, v6, vm0, $0xb8;
	[tilespmem:$0x11180] =	vst v63  }
0x68: {  	_ = 	snop  }
0x69: {  	[tilespmem:s13], [sflag:$0x2] =	stream.indirect_vreg.gather [hbm4b:s7+s3], $0x80, v6, vm0, $0xb8;
	[tilespmem:$0x11180] =	vst v63  }
0x6a: {  	_ = 	snop  }
0x6b: {  	[tilespmem:s14], [sflag:$0x2] =	stream.indirect_vreg.gather [hbm4b:s8+s3], $0x80, v6, vm0, $0xb8;
	[tilespmem:$0x11180] =	vst v63  }
0x6c: {  	_ = 	snop  }
0x6d: {  	[tilespmem:s17], [sflag:$0x2] =	stream.indirect_vreg.gather [hbm4b:s9+s3], $0x80, v6, vm0, $0xb8;
	[tilespmem:$0x11180] =	vst v63  }
0x6e: {  	v6 =	vld [tilespmem:$0x30];
	_ =	sdelay $0x4  }
0x6f: {  	v7 =	vshll.u32 v6, $0x3  }
0x70: {  	v6 =	vand.u32 $0x7, v6;
	v7 =	vand.u32 $0xFFFFFFC0, v7  }
0x71: {  	v6 =	vor.u32 v6, v7  }
0x72: {  	v7 =	vperm.xlane v6, v1;
	_ =	sdelay $0x1  }
0x73: {  	v7 =	vadd.s32 v2, v7;
	_ =	sdelay $0x4  }
0x74: {  	[tilespmem:s21], [sflag:$0x2] =	stream.indirect_vreg.gather [hbm4b:s2+s3], $0x80, v7, vm0, $0xb8;
	[tilespmem:$0x11180] =	vst v63  }
0x75: {  	v6 =	vperm.xlane v6, v3  }
0x76: {  	[tilespmem:s22], [sflag:$0x2] =	stream.indirect_vreg.gather [hbm4b:s7+s3], $0x80, v7, vm0, $0xb8;
	[tilespmem:$0x11180] =	vst v63  }
0x77: {  	v6 =	vadd.s32 v2, v6  }
0x78: {  	[tilespmem:s23], [sflag:$0x2] =	stream.indirect_vreg.gather [hbm4b:s8+s3], $0x80, v7, vm0, $0xb8;
	[tilespmem:$0x11180] =	vst v63  }
0x79: {  	_ = 	snop  }
0x7a: {  	[tilespmem:s24], [sflag:$0x2] =	stream.indirect_vreg.gather [hbm4b:s9+s3], $0x80, v7, vm0, $0xb8;
	[tilespmem:$0x11180] =	vst v63  }
0x7b: {  	_ = 	snop  }
0x7c: {  	[tilespmem:s25], [sflag:$0x2] =	stream.indirect_vreg.gather [hbm4b:s2+s3], $0x80, v6, vm0, $0xb8;
	[tilespmem:$0x11180] =	vst v63  }
0x7d: {  	_ = 	snop  }
0x7e: {  	[tilespmem:s26], [sflag:$0x2] =	stream.indirect_vreg.gather [hbm4b:s7+s3], $0x80, v6, vm0, $0xb8;
	[tilespmem:$0x11180] =	vst v63  }
0x7f: {  	_ = 	snop  }
0x80: {  	[tilespmem:s28], [sflag:$0x2] =	stream.indirect_vreg.gather [hbm4b:s8+s3], $0x80, v6, vm0, $0xb8;
	[tilespmem:$0x11180] =	vst v63  }
0x81: {  	_ = 	snop  }
0x82: {  	[tilespmem:s29], [sflag:$0x2] =	stream.indirect_vreg.gather [hbm4b:s9+s3], $0x80, v6, vm0, $0xb8;
	[tilespmem:$0x11180] =	vst v63  }
0x83: {  	v6 =	vld [tilespmem:$0x680];
	_ =	sdelay $0x3  }
0x84: {  	v8 =	vld [tilespmem:$0x0]  }
0x85: {  	v7 =	vshll.u32 v6, $0x3  }
0x86: {  	v6 =	vand.u32 $0x7F, v6;
	v7 =	vand.u32 $0xFFFFFC00, v7  }
0x87: {  	v6 =	vor.u32 v6, v7  }
0x88: {  	v6 =	vadd.s32 v4, v6;
	_ =	sdelay $0x1  }
0x89: {  	v7 =	vld [tilespmem:$0x690];
	_ =	sdelay $0x1  }
0x8a: {  	v8 =	vld.idx.msk [tilespmem:v8+s19+$0x0], $0xffff  }
0x8b: {  	v6 =	vld.idx.msk [tilespmem:v6+s20+$0x0], $0xffff;
	_ =	sdelay $0x1  }
0x8c: {  	v9 =	vld [tilespmem:$0x11100];
	v10 =	vshll.u32 v7, $0x3  }
0x8d: {  	v11 =	vld [tilespmem:$0x10];
	v7 =	vand.u32 $0x7F, v7;
	v10 =	vand.u32 $0xFFFFFC00, v10  }
0x8e: {  	v7 =	vor.u32 v7, v10  }
0x8f: {  	v7 =	vadd.s32 v5, v7;
	v6 =	vsub.f32 v8, v6;
	_ =	sdelay $0x1  }
0x90: {  	v6 =	vadd.f32 v6, v9;
	_ =	sdelay $0x1  }
0x91: {  	[tilespmem:$0x11100] =	vst v6  }
0x92: {  	v7 =	vld.idx.msk [tilespmem:v7+s20+$0x0], $0xffff  }
0x93: {  	v63 =	vld.idx.msk [tilespmem:v11+s19+$0x0], $0xffff;
	_ =	sdelay $0x4  }
0x94: {  	v7 =	vsub.f32 v63, v7;
	_ =	sdelay $0x1  }
0x95: {  	v6 =	vadd.f32 v7, v6;
	_ =	sdelay $0x1  }
0x96: {  	s0 =	rddreg [dreg:$0xa];
	s18 =	simm.s32 $0x0;
	[tilespmem:$0x11100] =	vst v6  }
.LBB2_2:
0x97: {  	_ =	swait.ge [sflag:s30], $0x8000  }
0x98: {  	[sflag:s30] =	ssyncset.done $0x0  }
0x99: {  	[sflag:s30] =	ssyncadd.s32 $0xFFFF8000  }
0x9a: {  	[hbm4b:s0+s3] =	stream.linear.scatter [tilespmem:s10], [sflag:$0x4], $0x8000, $0x38;
	[tilespmem:$0x11180] =	vst v63  }
0x9b: {  	_ =	swait.ge [sflag:s31], $0x8000  }
0x9c: {  	[sflag:s31] =	ssyncset.done $0x0  }
0x9d: {  	s4 =	sshra.s32 s18, $0x2;
	[sflag:s31] =	ssyncadd.s32 $0xFFFF8000  }
0x9e: {  	v6 =	vld [tilespmem:s4+$0x40];
	_ =	sdelay $0x4  }
0x9f: {  	v7 =	vshll.u32 v6, $0x3  }
0xa0: {  	v6 =	vand.u32 $0x7, v6;
	v7 =	vand.u32 $0xFFFFFFC0, v7  }
0xa1: {  	v6 =	vor.u32 v6, v7  }
0xa2: {  	v7 =	vperm.xlane v6, v1;
	_ =	sdelay $0x1  }
0xa3: {  	v7 =	vadd.s32 v2, v7;
	_ =	sdelay $0x4  }
0xa4: {  	[tilespmem:s20], [sflag:$0x1] =	stream.indirect_vreg.gather [hbm4b:s2+s3], $0x80, v7, vm0, $0xb8;
	[tilespmem:$0x11180] =	vst v63  }
0xa5: {  	s5 =	simm.s32 $0x1900;
	v6 =	vperm.xlane v6, v3  }
0xa6: {  	[tilespmem:s5], [sflag:$0x1] =	stream.indirect_vreg.gather [hbm4b:s7+s3], $0x80, v7, vm0, $0xb8;
	[tilespmem:$0x11180] =	vst v63  }
0xa7: {  	v6 =	vadd.s32 v2, v6;
	s5 =	simm.s32 $0x2100  }
0xa8: {  	[tilespmem:s5], [sflag:$0x1] =	stream.indirect_vreg.gather [hbm4b:s8+s3], $0x80, v7, vm0, $0xb8;
	[tilespmem:$0x11180] =	vst v63  }
0xa9: {  	s5 =	simm.s32 $0x2900  }
0xaa: {  	[tilespmem:s5], [sflag:$0x1] =	stream.indirect_vreg.gather [hbm4b:s9+s3], $0x80, v7, vm0, $0xb8;
	[tilespmem:$0x11180] =	vst v63  }
0xab: {  	s5 =	simm.s32 $0x3100  }
0xac: {  	[tilespmem:s5], [sflag:$0x1] =	stream.indirect_vreg.gather [hbm4b:s2+s3], $0x80, v6, vm0, $0xb8;
	[tilespmem:$0x11180] =	vst v63  }
0xad: {  	s5 =	simm.s32 $0x3900  }
0xae: {  	[tilespmem:s5], [sflag:$0x1] =	stream.indirect_vreg.gather [hbm4b:s7+s3], $0x80, v6, vm0, $0xb8;
	[tilespmem:$0x11180] =	vst v63  }
0xaf: {  	s5 =	simm.s32 $0x4100  }
0xb0: {  	[tilespmem:s5], [sflag:$0x1] =	stream.indirect_vreg.gather [hbm4b:s8+s3], $0x80, v6, vm0, $0xb8;
	[tilespmem:$0x11180] =	vst v63  }
0xb1: {  	s5 =	simm.s32 $0x4900  }
0xb2: {  	[tilespmem:s5], [sflag:$0x1] =	stream.indirect_vreg.gather [hbm4b:s9+s3], $0x80, v6, vm0, $0xb8;
	[tilespmem:$0x11180] =	vst v63  }
0xb3: {  	v6 =	vld [tilespmem:s4+$0x50];
	_ =	sdelay $0x4  }
0xb4: {  	v7 =	vshll.u32 v6, $0x3  }
0xb5: {  	v6 =	vand.u32 $0x7, v6;
	v7 =	vand.u32 $0xFFFFFFC0, v7  }
0xb6: {  	v6 =	vor.u32 v6, v7  }
0xb7: {  	v7 =	vperm.xlane v6, v1;
	_ =	sdelay $0x1  }
0xb8: {  	v7 =	vadd.s32 v2, v7;
	_ =	sdelay $0x3  }
0xb9: {  	s5 =	simm.s32 $0x5100  }
0xba: {  	[tilespmem:s5], [sflag:$0x1] =	stream.indirect_vreg.gather [hbm4b:s2+s3], $0x80, v7, vm0, $0xb8;
	[tilespmem:$0x11180] =	vst v63  }
0xbb: {  	v6 =	vperm.xlane v6, v3;
	s5 =	simm.s32 $0x5900  }
0xbc: {  	[tilespmem:s5], [sflag:$0x1] =	stream.indirect_vreg.gather [hbm4b:s7+s3], $0x80, v7, vm0, $0xb8;
	[tilespmem:$0x11180] =	vst v63  }
0xbd: {  	v6 =	vadd.s32 v2, v6;
	s5 =	simm.s32 $0x6100  }
0xbe: {  	[tilespmem:s5], [sflag:$0x1] =	stream.indirect_vreg.gather [hbm4b:s8+s3], $0x80, v7, vm0, $0xb8;
	[tilespmem:$0x11180] =	vst v63  }
0xbf: {  	s5 =	simm.s32 $0x6900  }
0xc0: {  	[tilespmem:s5], [sflag:$0x1] =	stream.indirect_vreg.gather [hbm4b:s9+s3], $0x80, v7, vm0, $0xb8;
	[tilespmem:$0x11180] =	vst v63  }
0xc1: {  	s5 =	simm.s32 $0x7100  }
0xc2: {  	[tilespmem:s5], [sflag:$0x1] =	stream.indirect_vreg.gather [hbm4b:s2+s3], $0x80, v6, vm0, $0xb8;
	[tilespmem:$0x11180] =	vst v63  }
0xc3: {  	s5 =	simm.s32 $0x7900  }
0xc4: {  	[tilespmem:s5], [sflag:$0x1] =	stream.indirect_vreg.gather [hbm4b:s7+s3], $0x80, v6, vm0, $0xb8;
	[tilespmem:$0x11180] =	vst v63  }
0xc5: {  	s5 =	simm.s32 $0x8100  }
0xc6: {  	[tilespmem:s5], [sflag:$0x1] =	stream.indirect_vreg.gather [hbm4b:s8+s3], $0x80, v6, vm0, $0xb8;
	[tilespmem:$0x11180] =	vst v63  }
0xc7: {  	s5 =	simm.s32 $0x8900  }
0xc8: {  	[tilespmem:s5], [sflag:$0x1] =	stream.indirect_vreg.gather [hbm4b:s9+s3], $0x80, v6, vm0, $0xb8;
	[tilespmem:$0x11180] =	vst v63  }
0xc9: {  	v6 =	vld [tilespmem:s4+$0x6A0];
	_ =	sdelay $0x3  }
0xca: {  	v8 =	vld [tilespmem:s4+$0x20]  }
0xcb: {  	v7 =	vshll.u32 v6, $0x3  }
0xcc: {  	v6 =	vand.u32 $0x7F, v6;
	v7 =	vand.u32 $0xFFFFFC00, v7  }
0xcd: {  	v6 =	vor.u32 v6, v7  }
0xce: {  	v6 =	vadd.s32 v4, v6;
	_ =	sdelay $0x3  }
0xcf: {  	v7 =	vld.idx.msk [tilespmem:v8+s19+$0x0], $0xffff  }
0xd0: {  	v6 =	vld.idx.msk [tilespmem:v6+s10+$0x0], $0xffff;
	_ =	sdelay $0x1  }
0xd1: {  	v56 =	vld [tilespmem:$0x11100];
	_ =	sdelay $0x2  }
0xd2: {  	v6 =	vsub.f32 v7, v6;
	_ =	sdelay $0x1  }
0xd3: {  	v6 =	vadd.f32 v6, v56;
	_ =	sdelay $0x1  }
0xd4: {  	[tilespmem:$0x11100] =	vst v6  }
0xd5: {  	v7 =	vld [tilespmem:s4+$0x6B0];
	_ =	sdelay $0x3  }
0xd6: {  	v9 =	vld [tilespmem:s4+$0x30]  }
0xd7: {  	v57 =	vshll.u32 v7, $0x3  }
0xd8: {  	v7 =	vand.u32 $0x7F, v7;
	v8 =	vand.u32 $0xFFFFFC00, v57  }
0xd9: {  	v7 =	vor.u32 v7, v8  }
0xda: {  	v7 =	vadd.s32 v5, v7;
	_ =	sdelay $0x3  }
0xdb: {  	v58 =	vld.idx.msk [tilespmem:v9+s19+$0x0], $0xffff  }
0xdc: {  	v7 =	vld.idx.msk [tilespmem:v7+s10+$0x0], $0xffff;
	_ =	sdelay $0x4  }
0xdd: {  	v7 =	vsub.f32 v58, v7;
	_ =	sdelay $0x1  }
0xde: {  	v6 =	vadd.f32 v7, v6;
	_ =	sdelay $0x1  }
0xdf: {  	[tilespmem:$0x11100] =	vst v6  }
0xe0: {  	_ =	swait.ge [sflag:s6], $0x8000  }
0xe1: {  	[sflag:s6] =	ssyncset.done $0x0  }
0xe2: {  	s5 =	sadd.s32 $0x1000, s0;
	[sflag:s6] =	ssyncadd.s32 $0xFFFF8000  }
0xe3: {  	[hbm4b:s5+s3] =	stream.linear.scatter [tilespmem:s20], [sflag:$0x3], $0x8000, $0x38;
	[tilespmem:$0x11180] =	vst v63  }
0xe4: {  	_ =	swait.ge [sflag:s1], $0x8000  }
0xe5: {  	[sflag:s1] =	ssyncset.done $0x0  }
0xe6: {  	[sflag:s1] =	ssyncadd.s32 $0xFFFF8000  }
0xe7: {  	v6 =	vld [tilespmem:s4+$0x60];
	_ =	sdelay $0x4  }
0xe8: {  	v7 =	vshll.u32 v6, $0x3  }
0xe9: {  	v6 =	vand.u32 $0x7, v6;
	v7 =	vand.u32 $0xFFFFFFC0, v7  }
0xea: {  	v6 =	vor.u32 v6, v7  }
0xeb: {  	v7 =	vperm.xlane v6, v1;
	_ =	sdelay $0x1  }
0xec: {  	v7 =	vadd.s32 v2, v7;
	_ =	sdelay $0x4  }
0xed: {  	[tilespmem:s10], [sflag:$0x2] =	stream.indirect_vreg.gather [hbm4b:s2+s3], $0x80, v7, vm0, $0xb8;
	[tilespmem:$0x11180] =	vst v63  }
0xee: {  	v6 =	vperm.xlane v6, v3  }
0xef: {  	[tilespmem:s11], [sflag:$0x2] =	stream.indirect_vreg.gather [hbm4b:s7+s3], $0x80, v7, vm0, $0xb8;
	[tilespmem:$0x11180] =	vst v63  }
0xf0: {  	v6 =	vadd.s32 v2, v6  }
0xf1: {  	[tilespmem:s12], [sflag:$0x2] =	stream.indirect_vreg.gather [hbm4b:s8+s3], $0x80, v7, vm0, $0xb8;
	[tilespmem:$0x11180] =	vst v63  }
0xf2: {  	_ = 	snop  }
0xf3: {  	[tilespmem:s15], [sflag:$0x2] =	stream.indirect_vreg.gather [hbm4b:s9+s3], $0x80, v7, vm0, $0xb8;
	[tilespmem:$0x11180] =	vst v63  }
0xf4: {  	_ = 	snop  }
0xf5: {  	[tilespmem:s16], [sflag:$0x2] =	stream.indirect_vreg.gather [hbm4b:s2+s3], $0x80, v6, vm0, $0xb8;
	[tilespmem:$0x11180] =	vst v63  }
0xf6: {  	_ = 	snop  }
0xf7: {  	[tilespmem:s13], [sflag:$0x2] =	stream.indirect_vreg.gather [hbm4b:s7+s3], $0x80, v6, vm0, $0xb8;
	[tilespmem:$0x11180] =	vst v63  }
0xf8: {  	_ = 	snop  }
0xf9: {  	[tilespmem:s14], [sflag:$0x2] =	stream.indirect_vreg.gather [hbm4b:s8+s3], $0x80, v6, vm0, $0xb8;
	[tilespmem:$0x11180] =	vst v63  }
0xfa: {  	_ = 	snop  }
0xfb: {  	[tilespmem:s17], [sflag:$0x2] =	stream.indirect_vreg.gather [hbm4b:s9+s3], $0x80, v6, vm0, $0xb8;
	[tilespmem:$0x11180] =	vst v63  }
0xfc: {  	v6 =	vld [tilespmem:s4+$0x70];
	_ =	sdelay $0x4  }
0xfd: {  	v7 =	vshll.u32 v6, $0x3  }
0xfe: {  	v6 =	vand.u32 $0x7, v6;
	v7 =	vand.u32 $0xFFFFFFC0, v7  }
0xff: {  	v6 =	vor.u32 v6, v7  }
0x100: {  	v7 =	vperm.xlane v6, v1;
	_ =	sdelay $0x1  }
0x101: {  	v7 =	vadd.s32 v2, v7;
	_ =	sdelay $0x4  }
0x102: {  	[tilespmem:s21], [sflag:$0x2] =	stream.indirect_vreg.gather [hbm4b:s2+s3], $0x80, v7, vm0, $0xb8;
	[tilespmem:$0x11180] =	vst v63  }
0x103: {  	v6 =	vperm.xlane v6, v3  }
0x104: {  	[tilespmem:s22], [sflag:$0x2] =	stream.indirect_vreg.gather [hbm4b:s7+s3], $0x80, v7, vm0, $0xb8;
	[tilespmem:$0x11180] =	vst v63  }
0x105: {  	v6 =	vadd.s32 v2, v6  }
0x106: {  	[tilespmem:s23], [sflag:$0x2] =	stream.indirect_vreg.gather [hbm4b:s8+s3], $0x80, v7, vm0, $0xb8;
	[tilespmem:$0x11180] =	vst v63  }
0x107: {  	_ = 	snop  }
0x108: {  	[tilespmem:s24], [sflag:$0x2] =	stream.indirect_vreg.gather [hbm4b:s9+s3], $0x80, v7, vm0, $0xb8;
	[tilespmem:$0x11180] =	vst v63  }
0x109: {  	_ = 	snop  }
0x10a: {  	[tilespmem:s25], [sflag:$0x2] =	stream.indirect_vreg.gather [hbm4b:s2+s3], $0x80, v6, vm0, $0xb8;
	[tilespmem:$0x11180] =	vst v63  }
0x10b: {  	_ = 	snop  }
0x10c: {  	[tilespmem:s26], [sflag:$0x2] =	stream.indirect_vreg.gather [hbm4b:s7+s3], $0x80, v6, vm0, $0xb8;
	[tilespmem:$0x11180] =	vst v63  }
0x10d: {  	_ = 	snop  }
0x10e: {  	[tilespmem:s28], [sflag:$0x2] =	stream.indirect_vreg.gather [hbm4b:s8+s3], $0x80, v6, vm0, $0xb8;
	[tilespmem:$0x11180] =	vst v63  }
0x10f: {  	_ = 	snop  }
0x110: {  	[tilespmem:s29], [sflag:$0x2] =	stream.indirect_vreg.gather [hbm4b:s9+s3], $0x80, v6, vm0, $0xb8;
	[tilespmem:$0x11180] =	vst v63  }
0x111: {  	v6 =	vld [tilespmem:s4+$0x6C0];
	_ =	sdelay $0x3  }
0x112: {  	v59 =	vld [tilespmem:s4+$0x40]  }
0x113: {  	v7 =	vshll.u32 v6, $0x3  }
0x114: {  	v6 =	vand.u32 $0x7F, v6;
	v7 =	vand.u32 $0xFFFFFC00, v7  }
0x115: {  	v6 =	vor.u32 v6, v7  }
0x116: {  	v6 =	vadd.s32 v4, v6;
	_ =	sdelay $0x3  }
0x117: {  	v7 =	vld.idx.msk [tilespmem:v59+s19+$0x0], $0xffff  }
0x118: {  	v6 =	vld.idx.msk [tilespmem:v6+s20+$0x0], $0xffff;
	_ =	sdelay $0x1  }
0x119: {  	v60 =	vld [tilespmem:$0x11100];
	_ =	sdelay $0x2  }
0x11a: {  	v6 =	vsub.f32 v7, v6;
	_ =	sdelay $0x1  }
0x11b: {  	v6 =	vadd.f32 v6, v60;
	_ =	sdelay $0x1  }
0x11c: {  	[tilespmem:$0x11100] =	vst v6  }
0x11d: {  	v7 =	vld [tilespmem:s4+$0x6D0];
	_ =	sdelay $0x3  }
0x11e: {  	v62 =	vld [tilespmem:s4+$0x50]  }
0x11f: {  	v61 =	vshll.u32 v7, $0x3  }
0x120: {  	v7 =	vand.u32 $0x7F, v7;
	v8 =	vand.u32 $0xFFFFFC00, v61  }
0x121: {  	v7 =	vor.u32 v7, v8  }
0x122: {  	v7 =	vadd.s32 v5, v7;
	_ =	sdelay $0x3  }
0x123: {  	v63 =	vld.idx.msk [tilespmem:v62+s19+$0x0], $0xffff  }
0x124: {  	v7 =	vld.idx.msk [tilespmem:v7+s20+$0x0], $0xffff;
	_ =	sdelay $0x3  }
0x125: {  	p0 =	sne.s32 s18, $0x1700  }
.Ltmp0:
0x126: {  	v7 =	vsub.f32 v63, v7;
	(pc) =	sbr.rel @p0 .LBB2_2-.Ltmp0, $3  }
0x127: {  	_ = 	snop  }
0x128: {  	v6 =	vadd.f32 v7, v6;
	_ =	sdelay $0x1  }
0x129: {  	s18 =	sadd.s32 $0x100, s18;
	s0 =	sadd.s32 $0x2000, s0;
	[tilespmem:$0x11100] =	vst v6  }
0x12a: {  	_ =	swait.ge [sflag:s30], $0x8000  }
0x12b: {  	[sflag:s30] =	ssyncset.done $0x0  }
0x12c: {  	s0 =	rddreg [dreg:$0x7];
	[sflag:s30] =	ssyncadd.s32 $0xFFFF8000  }
0x12d: {  	[hbm4b:s0+s3] =	stream.linear.scatter [tilespmem:s10], [sflag:$0x4], $0x8000, $0x38;
	[tilespmem:$0x11180] =	vst v63  }
0x12e: {  	_ =	swait.ge [sflag:s31], $0x8000  }
0x12f: {  	[sflag:s31] =	ssyncset.done $0x0  }
0x130: {  	[sflag:s31] =	ssyncadd.s32 $0xFFFF8000  }
0x131: {  	v6 =	vld [tilespmem:$0xCA0];
	_ =	sdelay $0x3  }
0x132: {  	v8 =	vld [tilespmem:$0x620]  }
0x133: {  	v7 =	vshll.u32 v6, $0x3  }
0x134: {  	v6 =	vand.u32 $0x7F, v6;
	v7 =	vand.u32 $0xFFFFFC00, v7  }
0x135: {  	v6 =	vor.u32 v6, v7  }
0x136: {  	v6 =	vadd.s32 v4, v6;
	_ =	sdelay $0x1  }
0x137: {  	v7 =	vld [tilespmem:$0xCB0];
	_ =	sdelay $0x1  }
0x138: {  	v8 =	vld.idx.msk [tilespmem:v8+s19+$0x0], $0xffff  }
0x139: {  	v6 =	vld.idx.msk [tilespmem:v6+s10+$0x0], $0xffff;
	_ =	sdelay $0x1  }
0x13a: {  	v9 =	vld [tilespmem:$0x11100];
	v10 =	vshll.u32 v7, $0x3  }
0x13b: {  	v11 =	vld [tilespmem:$0x630];
	v7 =	vand.u32 $0x7F, v7;
	v10 =	vand.u32 $0xFFFFFC00, v10  }
0x13c: {  	v7 =	vor.u32 v7, v10  }
0x13d: {  	v7 =	vadd.s32 v5, v7;
	v6 =	vsub.f32 v8, v6;
	_ =	sdelay $0x1  }
0x13e: {  	v6 =	vadd.f32 v6, v9;
	_ =	sdelay $0x1  }
0x13f: {  	[tilespmem:$0x11100] =	vst v6  }
0x140: {  	v7 =	vld.idx.msk [tilespmem:v7+s10+$0x0], $0xffff  }
0x141: {  	v63 =	vld.idx.msk [tilespmem:v11+s19+$0x0], $0xffff;
	_ =	sdelay $0x4  }
0x142: {  	v7 =	vsub.f32 v63, v7;
	_ =	sdelay $0x1  }
0x143: {  	v6 =	vadd.f32 v7, v6;
	_ =	sdelay $0x1  }
0x144: {  	[tilespmem:$0x11100] =	vst v6  }
0x145: {  	_ =	swait.ge [sflag:s1], $0x8000  }
0x146: {  	[sflag:s1] =	ssyncset.done $0x0  }
0x147: {  	s4 =	simm.s32 $0x11100;
	s18 =	rddreg [dreg:$0x8];
	[sflag:s1] =	ssyncadd.s32 $0xFFFF8000  }
0x148: {  	[hbm4b:s18+s3] =	stream.linear.scatter [tilespmem:s4], [sflag:$0x5], $0x80, $0x38;
	[tilespmem:$0x11180] =	vst v63  }
0x149: {  	s18 =	simm.s32 $0x5  }
0x14a: {  	_ =	swait.ge [sflag:s18], $0x80  }
0x14b: {  	s5 =	rddreg [dreg:$0xb]  }
0x14c: {  	s11 =	rddreg [dreg:$0x9];
	s4 =	sadd.s32 $0x1, s5  }
0x14d: {  	p0 =	sne.s32 s4, s11  }
.Ltmp1:
0x14e: {  	_ = 	snop;
	(pc) =	sbr.rel @p0 .LBB2_1-.Ltmp1, $3  }
0x14f: {  	_ =	sdelay $0x1  }
0x150: {  	[sflag:s18] =	ssyncset.done $0x0  }
0x151: {  	[sflag:s18] =	ssyncadd.s32 $0xFFFFFF80  }
0x152: {  	_ =	sfence.sel $0x180000  }
0x153: {  	[bflag:$0x0] =	sbarrier.arrive $0xFFFF  }
0x154: {  	_ =	strace $0x90000047  }
0x155: {  	s0 =	stileid.u32;
	[bflag:$0x2] =	sbarrier.arrive $0xFFFF  }
0x156: {  	p0 =	sne.s32 s0, $0x0;
	s0 =	rddreg [dreg:$0x2]  }
0x157: {  	s0 =	sadd.s32 @!p0 $0x100000, s0  }
0x158: {  	[sflag:s0] =	ssyncadd.tile.s32 @!p0 $0x1;
	_ =	shalt  }
.Lfunc_end2:
_tile_overlayer_lowered:
.L_overlay_start_2:
0x159: {  	(tag) =	ssettag $0x2  }
0x15a: {  	s0 =	rddreg [dreg:$0x0];
	s2 =	stileid.u32  }
0x15b: {  	s1 =	rddreg [dreg:$0x1];
	p0 =	sne.s32 s2, $0x0  }
0x15c: {  	s3 =	rddreg [dreg:$0x2];
	[bflag:$0x3] =	sbarrier.arrive $0xFFFF;
	s2 =	simm.s32 @!p0 $0x1C05  }
0x15d: {  	[timem:s3], [sflag:s2] =	dma.local @!p0 [hbm:s0], s1  }
0x15e: {  	s0 =	simm.s32 @!p0 $0x5  }
0x15f: {  	_ =	swait.ge @!p0 [sflag:s0], s1  }
0x160: {  	s1 =	ssub.s32 @!p0 $0x0, s1;
	[sflag:s0] =	ssyncset.done @!p0 $0x0  }
0x161: {  	[sflag:s0] =	ssyncadd.s32 @!p0 s1  }
0x162: {  	[bflag:$0x3] =	sbarrier.arrive $0xFFFF  }
0x163: {  	_ =	shalt  }

// kernel: sparse-core-data-format-call.cloned.1.call-start
scs
called_computation_lowered:
.L_overlay_start_0:
0x0: {  	s2 =	sld [smem:$0x3FD9]  }
0x1: {  	s3 =	sld [smem:$0x3FFE];
	_ =	sdelay $0x1  }
0x2: {  	s1 =	srdreg.scid  }
0x3: {  	s0 =	sand.u32 $0x1, s1  }
0x4: {  	s15 =	sshll.u32 s0, $0xA;
	s2 =	sadd.s32 s3, s2  }
0x5: {  	s2 =	sadd.s32 s2, s15  }
0x6: {  	[smem:$0x3FC5] =	sst s2  }
0x7: {  	_ = 	snop  }
0x8: {  	s2 =	sld [smem:$0x3FD0];
	_ =	sdelay $0x2  }
0x9: {  	s16 =	simm.s32 $0xA;
	s4 =	simm.s32 $0x10  }
0xa: {  	[smem:s4], [sflag:s16] =	dma.local [hbm:s2], $0x1  }
0xb: {  	_ =	swait.eq [sflag:s16], $0x1  }
0xc: {  	[sflag:s16] =	ssyncset.done $0x0  }
0xd: {  	[sflag:s16] =	ssyncadd.s32 $0xFFFFFFFF  }
0xe: {  	s17 =	sld [smem:$0x10];
	(tm) =	ssettm $0x1  }
0xf: {  	s18 =	sld [smem:$0x3FFB];
	_ =	sdelay $0x3  }
0x10: {  	_ =	strace s18  }
0x11: {  	s3 =	sld [smem:$0x3FFC];
	_ =	sdelay $0x3  }
0x12: {  	_ =	strace s3  }
0x13: {  	s3 =	sld [smem:$0x3FFD];
	_ =	sdelay $0x3  }
0x14: {  	_ =	strace s3  }
0x15: {  	_ =	strace $0x8FFFFFFF  }
0x16: {  	s19 =	sld [smem:$0x3FDB];
	_ =	sdelay $0x1  }
0x17: {  	s20 =	simm.s32 $_scs_section_size  }
0x18: {  	s5 =	simm.s32 $_size__tile_overlayer_lowered;
	s6 =	simm.s32 $_tile_overlayer_lowered  }
0x19: {  	s23 =	simm.s32 $0x1BFF;
	s22 =	sshll.u32 s6, $0x1;
	s3 =	sadd.s32 s20, s19  }
0x1a: {  	s7 =	simm.s32 $0x0;
	s21 =	sshll.u32 s5, $0x1;
	s5 =	sadd.s32 s22, s3  }
0x1b: {  	[timem:s7], [sflag:s23] =	dma.local [hbm:s5], s21  }
0x1c: {  	_ =	swait.ge [sflag:s23], s21  }
0x1d: {  	s4 =	ssub.s32 $0x0, s21;
	[sflag:s23] =	ssyncset.done $0x0  }
0x1e: {  	[sflag:s23] =	ssyncadd.s32 s4;
	_ =	sdelay $0x1  }
0x1f: {  	s24 =	simm.s32 $0x1B8B  }
0x20: {  	_ =	swait.ge [sflag:s24], $0x1  }
0x21: {  	[sflag:s24] =	ssyncset.done $0x0  }
0x22: {  	s26 =	simm.s32 $0x1B8E;
	s25 =	sld [smem:$0x3FFE];
	[sflag:s24] =	ssyncadd.s32 $0xFFFFFFFF  }
0x23: {  	s27 =	simm.s32 $execute0_lowered;
	[smem:$0x3FD2] =	sst s26  }
0x24: {  	s5 =	sshll.u32 s27, $0x1;
	_ =	strace $0x80000049;
	[dreg:$0x1] =	wrdreg $0xFFFFFFFF  }
0x25: {  	s28 =	simm.s32 $_size_execute0_lowered;
	s3 =	sadd.s32 s3, s5;
	[dreg:$0x0] =	wrdreg $0x0  }
0x26: {  	s5 =	sshll.u32 s28, $0x1;
	[dreg:$0x2] =	wrdreg s3  }
0x27: {  	[dreg:$0x3] =	wrdreg s5  }
0x28: {  	[dreg:$0x4] =	wrdreg $0xC0  }
0x29: {  	_ =	task [dreg:s7], $0x5FFFF  }
0x2a: {  	[dreg:$0x1] =	wrdreg $0xFFFFFFFF  }
0x2b: {  	[dreg:$0x0] =	wrdreg $0x60  }
0x2c: {  	[dreg:$0x2] =	wrdreg s25  }
0x2d: {  	[dreg:$0x3] =	wrdreg s17  }
0x2e: {  	[dreg:$0x4] =	wrdreg $0x9  }
0x2f: {  	_ =	task.clear_ibuf [dreg:s7], $0x5FFFF;
	_ =	strace $0x90000049  }
0x30: {  	s29 =	simm.s32 $0x9;
	_ =	strace $0x8000004B  }
0x31: {  	_ =	swait.ge [sflag:s29], $0x1  }
0x32: {  	[sflag:s29] =	ssyncadd.s32 $0xFFFFFFFF  }
0x33: {  	_ =	strace $0x9000004B  }
0x34: {  	_ =	sfence  }
0x35: {  	s30 =	sld [smem:$0x0];
	_ =	sdelay $0x2  }
0x36: {  	s31 =	sshll.u32 s1, $0xD;
	s1 =	sshrl.u32 s1, $0x2  }
0x37: {  	s3 =	sand.u32 $0x4000, s31;
	s1 =	sadd.s32 s1, s30  }
0x38: {  	s0 =	sor.u32 s3, s0;
	s1 =	sshll.u32 s1, $0x11  }
0x39: {  	s0 =	sor.u32 s1, s0  }
0x3a: {  	s0 =	sadd.s32 $0x8F2B, s0  }
0x3b: {  	[sflag:s0] =	ssyncadd.remote.s32 $0x1  }
0x3c: {  	_ =	sfence.sel $0xFFFF  }
0x3d: {  	[dreg:$0x0] =	wrdreg $0xFFFFFFFF;
	(pc) =	sbr.abs _section_cstart, $3  }
0x3e: {  	[dreg:$0x1] =	wrdreg $0xFFFFFFFF  }
0x3f: {  	_ =	task.clear_ibuf [dreg:s7], $0x2FFFF;
	_ =	strace $0x9FFFFFFF  }
0x40: {  	(tm) =	ssettm $0x7FFFFFFF  }
0x41: {  	_ =	shalt  }
tec
execute0_lowered:
.L_overlay_start_1:
0x0: {  	(tag) =	ssettag $0x1  }
0x1: {  	s4 =	rddreg [dreg:$0x0]  }
0x2: {  	s2 =	rddreg [dreg:$0x1];
	s1 =	stileid.u32  }
0x3: {  	s3 =	srdreg.scid;
	s0 =	rddreg [dreg:$0x2];
	_ =	strace $0x8000004A  }
0x4: {  	s10 =	simm.s32 $0x2;
	s14 =	simm.s32 $0x0;
	s16 =	simm.s32 $0x0  }
0x5: {  	s12 =	simm.s32 $0x0;
	s15 =	simm.s32 $0x0;
	s3 =	sshll.u32 s3, $0x4  }
0x6: {  	s5 =	sshll.u32 s1, $0x7;
	s4 =	sadd.s32 $0x4400, s4;
	s6 =	sand.u32 $0x10, s3  }
0x7: {  	s3 =	sand.u32 $0x180, s5;
	s5 =	simm.s32 $0x1;
	s8 =	sor.u32 s1, s6  }
0x8: {  	s31 =	ssub.s32 $0xC800, s3;
	[sflag:s5] =	ssyncpa.u1 $0x0;
	s13 =	smov.u32 s3  }
.Ltmp0:
0x9: {  	s7 =	sshll.u32 s8, $0x5;
	s9 =	sand.u32 $0x180, s31;
	(pc) =	sbr.rel .LBB1_1-.Ltmp0, $4  }
0xa: {  	s11 =	sshrl.u32 s31, $0x9;
	p0 =	sne.s32 s9, $0x0;
	s9 =	simm.s32 $0x1  }
0xb: {  	[sflag:s10] =	ssyncpa.u1 $0x0;
	s8 =	sshll.u32 s8, $0x8;
	s9 =	simm.s32 @!p0 $0x0  }
0xc: {  	s10 =	simm.s32 $0x64000;
	s6 =	sand.u32 $0x380, s7;
	s7 =	sadd.s32 s9, s11  }
0xd: {  	p0 =	por $0x0, $0x0;
	s11 =	simm.s32 $0x0;
	s9 =	sadd.s32 $0x1, s7  }
.LBB1_4:
0xe: {  	s22 =	sshrl.u32 s11, $0x3  }
0xf: {  	s23 =	sshll.u32 s12, $0x3;
	s24 =	sand.u32 $0x7F, s12;
	s22 =	smul.u32 $0x64000, s22  }
0x10: {  	v5 =	vld [tilespmem:s18+$0xFFFFFFD0];
	s21 =	sshra.s32 s21, $0x2;
	s25 =	sshra.s32 s12, $0x1F;
	s23 =	sand.u32 $0xFFFFFC00, s23  }
0x11: {  	[tilespmem:s20+$0x2040 ss:$0x81] =	vst.msk $0xffff, v4;
	v58 =	vld [tilespmem:s18+$0xFFFFFFE0];
	p1 =	sgt.s32 s12, $0xC780;
	s25 =	sand.u32 s25, s12;
	s22 =	sadd.s32 s23, s22  }
0x12: {  	[tilespmem:s20+$0x2850 ss:$0x81] =	vst.msk $0xffff, v3;
	v59 =	vld [tilespmem:s18+$0xFFFFFFF0];
	s23 =	sor.u32 s24, s22;
	s22 =	smulhi.u32 $0x51EB851F, s22;
	s24 =	smov.u32 s12  }
0x13: {  	[tilespmem:s20+$0x3060 ss:$0x81] =	vst.msk $0xffff, v2;
	v60 =	vld [tilespmem:s18+$0x0];
	s19 =	sadd.s32 s21, s19;
	s26 =	smulhi.u32 $0x51EB851F, s23;
	s24 =	simm.s32 @!p1 $0xC780  }
0x14: {  	[tilespmem:s20+$0x0 ss:$0x81] =	vst.msk $0xffff, v0;
	v61 =	vld [tilespmem:s18+$0x10];
	p1 =	sgt.s32 s11, $0x368;
	s28 =	sshrl.u32 s22, $0xE;
	s29 =	ssub.s32 s24, s25  }
0x15: {  	[tilespmem:s19+$0x3870 ss:$0x81] =	vst.msk $0xffff, v1;
	s30 =	sshrl.u32 s26, $0xE;
	s31 =	smulhi.u32 $0x418938, s28;
	s25 =	sadd.s32 $0xFFFF3880, s29  }
0x16: {  	v62 =	vld [tilespmem:s18+$0x20];
	[tilespmem:s19+$0x810 ss:$0x81] =	vst.msk $0xffff, v5;
	s22 =	smul.u32 $0xC800, s30;
	p2 =	sgt.s32 s25, $0x7F;
	s25 =	smov.u32 s11  }
0x17: {  	v63 =	vld [tilespmem:s18+$0xFFFFFFC0];
	[tilespmem:s19+$0x1020 ss:$0x81] =	vst.msk $0xffff, v58;
	s21 =	ssub.s32 $0xC800, s29;
	s25 =	simm.s32 @!p1 $0x368;
	s26 =	smul.u32 $0x3E8, s31  }
0x18: {  	[tilespmem:s19+$0x1830 ss:$0x81] =	vst.msk $0xffff, v59;
	s21 =	simm.s32 @p2 $0x0;
	s27 =	ssub.s32 $0x3E8, s25  }
0x19: {  	[tilespmem:s19+$0x2040 ss:$0x81] =	vst.msk $0xffff, v60;
	s22 =	ssub.s32 s23, s22;
	s18 =	ssub.s32 s28, s26;
	s28 =	smul.u32 s27, s21  }
0x1a: {  	[tilespmem:s19+$0x2850 ss:$0x81] =	vst.msk $0xffff, v61;
	s29 =	sshrl.u32 s22, $0x3;
	s22 =	sand.u32 $0x7, s22;
	s18 =	smul.u32 $0x1900, s18  }
0x1b: {  	[tilespmem:s19+$0x3060 ss:$0x81] =	vst.msk $0xffff, v62;
	s21 =	sadd.s32 s2, s29;
	s22 =	sshll.u32 s22, $0x12  }
0x1c: {  	[tilespmem:s19+$0x0 ss:$0x81] =	vst.msk $0xffff, v63;
	s30 =	sand.u32 $0x3FFFFFF8, s28;
	s31 =	sor.u32 $0x400, s22;
	s18 =	sadd.s32 s18, s21  }
0x1d: {  	[hbm4b:s18+s31] =	stream.strided.scatter [tilespmem:s17], [sflag:$0x2], s30, s10, s31, $0x20;
	[tilespmem:$0x10100] =	vst v63  }
.LBB1_5:
0x1e: {  	p1 =	slt.u32 s15, $0x2  }
0x1f: {  	p2 =	sgt.s32 @!p1 s16, $0xC780  }
0x20: {  	s17 =	smov.u32 s16;
	s18 =	sshra.s32 @!p1 s16, $0x1F;
	p2 =	por !p2, p1  }
0x21: {  	s16 =	sand.u32 @!p1 s18, s16;
	s17 =	simm.s32 @p2 $0xC780  }
0x22: {  	s16 =	ssub.s32 @!p1 s17, s16  }
0x23: {  	p2 =	sgt.s32 @!p1 s14, $0x368;
	s17 =	sadd.s32 @!p1 $0xFFFF3880, s16  }
0x24: {  	s18 =	sadd.s32 $0x200, s13;
	p2 =	por !p2, p1;
	p3 =	sgt.s32 @!p1 s17, $0x7F  }
0x25: {  	s14 =	simm.s32 @p2 $0x368;
	s16 =	ssub.s32 @!p1 $0xC800, s16;
	p2 =	por !p3, p1  }
0x26: {  	s14 =	ssub.s32 @!p1 $0x3E8, s14;
	s16 =	simm.s32 @!p2 $0x0;
	p2 =	sgt.s32 s18, $0xC7FF  }
0x27: {  	s14 =	smul.u32 @!p1 s14, s16;
	s18 =	smov.u32 @p2 s3;
	p2 =	sne.s32 s15, s9  }
.Ltmp1:
0x28: {  	s20 =	sadd.s32 $0x1, s15;
	p0 =	por !p0, !p0;
	(pc) =	sbr.rel @!p2 .LBB1_6-.Ltmp1, $4  }
0x29: {  	s17 =	simm.s32 @!p1 $0x2;
	s16 =	smov.u32 s12;
	s14 =	sand.u32 @!p1 $0x3FFFFFFF, s14  }
0x2a: {  	s12 =	smov.u32 s13;
	s15 =	smov.u32 s20;
	_ =	swait.ge @!p1 [sflag:s17], s14  }
0x2b: {  	s13 =	smov.u32 s18;
	s19 =	ssub.s32 @!p1 $0x0, s14;
	[sflag:s17] =	ssyncset.done @!p1 $0x0  }
0x2c: {  	s14 =	smov.u32 s11;
	s11 =	smov.u32 s6;
	[sflag:s17] =	ssyncadd.s32 @!p1 s19  }
.LBB1_1:
0x2d: {  	p1 =	sge.u32 s15, s7  }
0x2e: {  	s17 =	sshll.u32 @!p1 s13, $0xA  }
0x2f: {  	s17 =	sand.u32 @!p1 $0xFFFFE000, s17  }
0x30: {  	s17 =	sor.u32 @!p1 s8, s17  }
0x31: {  	s17 =	sshrl.u32 @!p1 s17, $0xA  }
0x32: {  	s18 =	smulhi.u32 @!p1 $0x28F5C3, s17;
	_ =	sdelay $0x1  }
0x33: {  	s18 =	sshrl.u32 @!p1 s18, $0x5  }
0x34: {  	s18 =	smul.u32 @!p1 $0xC800, s18  }
0x35: {  	s31 =	sadd.s32 $0xFFFFFFFF, s15;
	s19 =	sxor.u32 @!p1 $0xFFFFFFFF, s15;
	s20 =	sshll.u32 @!p1 s13, $0x4  }
0x36: {  	s19 =	sshll.u32 @!p1 s19, $0xE;
	s17 =	ssub.s32 @!p1 s17, s18;
	s18 =	sand.u32 @!p1 $0x70, s20  }
0x37: {  	s19 =	sand.u32 @!p1 $0x4000, s19;
	s17 =	sshll.u32 @!p1 s17, $0x7;
	s18 =	sadd.s32 @!p1 s4, s18  }
0x38: {  	s20 =	simm.s32 @!p1 $0x2000;
	s17 =	sadd.s32 @!p1 s17, s18;
	s18 =	simm.s32 @!p1 $0x400  }
0x39: {  	[tilespmem:s19], [sflag:$0x1] =	stream.strided.gather @!p1 [hbm4b:s17+s18], $0x4000, s20, s18, $0x38;
	[tilespmem:$0x10100] =	vst v63  }
0x3a: {  	p1 =	sge.u32 s31, s7  }
.Ltmp2:
0x3b: {  	_ = 	snop;
	(pc) =	sbr.rel @p1 .LBB1_5-.Ltmp2, $1  }
0x3c: {  	_ =	sdelay $0x3  }
0x3d: {  	s17 =	simm.s32 $0x1  }
0x3e: {  	_ =	swait.ge [sflag:s5], $0x4000;
	s17 =	simm.s32 @!p0 $0x0  }
0x3f: {  	[sflag:s5] =	ssyncset.done $0x0;
	s18 =	sshll.u32 s17, $0xE  }
0x40: {  	[sflag:s5] =	ssyncadd.s32 $0xFFFFC000;
	s18 =	sor.u32 $0x40, s18  }
0x41: {  	s17 =	smul.u32 $0x10200, s17;
	v0 =	vld [tilespmem:s18+$0x30]  }
0x42: {  	v1 =	vld [tilespmem:s18+$0xFFFFFFD0]  }
0x43: {  	s17 =	sshrl.u32 s17, $0x2;
	v5 =	vld [tilespmem:s18+$0xFFFFFFE0]  }
0x44: {  	v6 =	vld [tilespmem:s18+$0xFFFFFFF0];
	s19 =	sor.u32 $0x8000, s17  }
0x45: {  	s31 =	sand.u32 $0x1, s15;
	v4 =	vld [tilespmem:s18+$0x0];
	s20 =	sadd.s32 $0x0, s19  }
0x46: {  	v3 =	vld [tilespmem:s18+$0x10];
	s17 =	smul.u32 $0x10200, s31;
	[tilespmem:s20+$0x3870 ss:$0x81] =	vst.msk $0xffff, v0  }
0x47: {  	v2 =	vld [tilespmem:s18+$0x20];
	[tilespmem:s20+$0x810 ss:$0x81] =	vst.msk $0xffff, v1  }
0x48: {  	s17 =	sshrl.u32 s17, $0x2;
	v0 =	vld [tilespmem:s18+$0xFFFFFFC0];
	[tilespmem:s20+$0x1020 ss:$0x81] =	vst.msk $0xffff, v5;
	s18 =	sadd.s32 $0x80, s18  }
0x49: {  	s21 =	simm.s32 $0x4;
	s22 =	simm.s32 $0x8;
	s17 =	sor.u32 $0x8000, s17;
	[tilespmem:s20+$0x1830 ss:$0x81] =	vst.msk $0xffff, v6;
	v1 =	vld [tilespmem:s18+$0x30]  }
.LBB1_3:
0x4a: {  	p1 =	sne.s32 s22, $0x1FC;
	v5 =	vld [tilespmem:s18+$0xFFFFFFD0];
	[tilespmem:s20+$0x2040 ss:$0x81] =	vst.msk $0xffff, v4  }
0x4b: {  	v6 =	vld [tilespmem:s18+$0xFFFFFFE0];
	[tilespmem:s20+$0x2850 ss:$0x81] =	vst.msk $0xffff, v3  }
0x4c: {  	s23 =	sshra.s32 s21, $0x2;
	s21 =	smov.u32 s22;
	v7 =	vld [tilespmem:s18+$0xFFFFFFF0];
	[tilespmem:s20+$0x3060 ss:$0x81] =	vst.msk $0xffff, v2  }
.Ltmp3:
0x4d: {  	v4 =	vld [tilespmem:s18+$0x0];
	[tilespmem:s20+$0x0 ss:$0x81] =	vst.msk $0xffff, v0;
	s20 =	sadd.s32 s23, s19;
	(pc) =	sbr.rel @p1 .LBB1_3-.Ltmp3, $4  }
0x4e: {  	v3 =	vld [tilespmem:s18+$0x10];
	[tilespmem:s20+$0x3870 ss:$0x81] =	vst.msk $0xffff, v1  }
0x4f: {  	[tilespmem:s20+$0x810 ss:$0x81] =	vst.msk $0xffff, v5;
	v2 =	vld [tilespmem:s18+$0x20]  }
0x50: {  	v0 =	vld [tilespmem:s18+$0xFFFFFFC0];
	[tilespmem:s20+$0x1020 ss:$0x81] =	vst.msk $0xffff, v6;
	s18 =	sadd.s32 $0x80, s18  }
0x51: {  	s22 =	sadd.s32 $0x4, s22;
	v1 =	vld [tilespmem:s18+$0x30];
	[tilespmem:s20+$0x1830 ss:$0x81] =	vst.msk $0xffff, v7  }
.Ltmp4:
0x52: {  	_ = 	snop;
	(pc) =	sbr.rel .LBB1_4-.Ltmp4, $1  }
0x53: {  	_ =	sdelay $0x3  }
.LBB1_6:
0x54: {  	_ =	sfence.sel $0x180000  }
0x55: {  	s2 =	simm.s32 $0x1;
	[bflag:$0x0] =	sbarrier.arrive $0xFFFF  }
0x56: {  	s31 =	simm.s32 $0x2;
	[sflag:s2] =	ssyncpa.u1 $0x1  }
0x57: {  	[sflag:s31] =	ssyncpa.u1 $0x1  }
0x58: {  	p0 =	sne.s32 s1, $0x0;
	_ =	strace $0x9000004A  }
0x59: {  	s0 =	sadd.s32 @!p0 $0x100000, s0;
	[bflag:$0x2] =	sbarrier.arrive $0xFFFF  }
0x5a: {  	[sflag:s0] =	ssyncadd.tile.s32 @!p0 $0x1;
	_ =	shalt  }
.Lfunc_end1:
_tile_overlayer_lowered:
.L_overlay_start_2:
0x5b: {  	(tag) =	ssettag $0x2  }
0x5c: {  	s0 =	rddreg [dreg:$0x0];
	s2 =	stileid.u32  }
0x5d: {  	s1 =	rddreg [dreg:$0x1];
	p0 =	sne.s32 s2, $0x0  }
0x5e: {  	s3 =	rddreg [dreg:$0x2];
	[bflag:$0x3] =	sbarrier.arrive $0xFFFF;
	s2 =	simm.s32 @!p0 $0x1C01  }
0x5f: {  	[timem:s3], [sflag:s2] =	dma.local @!p0 [hbm:s0], s1  }
0x60: {  	s0 =	simm.s32 @!p0 $0x1  }
0x61: {  	_ =	swait.ge @!p0 [sflag:s0], s1  }
0x62: {  	s1 =	ssub.s32 @!p0 $0x0, s1;
	[sflag:s0] =	ssyncset.done @!p0 $0x0  }
0x63: {  	[sflag:s0] =	ssyncadd.s32 @!p0 s1  }
0x64: {  	[bflag:$0x3] =	sbarrier.arrive $0xFFFF  }
0x65: {  	_ =	shalt  }

</sc_bundles>
